<compile_context>
chip_gen: v7x
topology: tpu7x:2x2x1
jax: 0.10.2.dev20260603
libtpu: 0.0.44.dev20260713+nightly
codegen_flags: <defaults>
</compile_context>

<pallas_src>
import functools

import jax
import jax.numpy as jnp
from jax import lax
from jax.experimental import pallas as pl
from jax.experimental.pallas import tpu as pltpu
from jax.experimental.pallas import tpu_sc as plsc

HIDDEN = 512
B_TOTAL = 4096 * 200
NC, NS = 2, 16
NW = NC * NS
B_PER_W = B_TOTAL // NW
CB = 120
N_FULL = B_PER_W // CB
TAIL = B_PER_W - N_FULL * CB
NBUF = 2

assert CB % 8 == 0 and CB <= 128 and TAIL % 8 == 0
assert N_FULL % 2 == 1
assert NBUF * CB * (HIDDEN + 1) * 4 <= 524284


def _emb_body(table_hbm, idx_hbm, out_hbm, idx_v, rows_v, sem0, sem1):
    sems = (sem0, sem1)
    wid = lax.axis_index("s") * NC + lax.axis_index("c")
    base = wid * B_PER_W

    def load_idx(g, b, n=CB):
        pltpu.sync_copy(idx_hbm.at[pl.ds(base + g * CB, n)],
                        idx_v.at[b, pl.ds(0, n)])

    def start_gather(b, n=CB):
        pltpu.async_copy(table_hbm.at[idx_v.at[b, pl.ds(0, n)]],
                         rows_v.at[b, pl.ds(0, n)], sems[b])

    def wait_gather(b, n=CB):
        pltpu.make_async_copy(table_hbm.at[idx_v.at[b, pl.ds(0, n)]],
                              rows_v.at[b, pl.ds(0, n)], sems[b]).wait()

    def store(g, b, n=CB):
        pltpu.sync_copy(rows_v.at[b, pl.ds(0, n)],
                        out_hbm.at[pl.ds(base + g * CB, n)])

    load_idx(0, 0)
    start_gather(0)

    def blk_body(blk, carry):
        for b in range(NBUF):
            g = blk * NBUF + b
            load_idx(g + 1, 1 - b)
            start_gather(1 - b)
            wait_gather(b)
            store(g, b)
        return carry

    lax.fori_loop(0, (N_FULL - 1) // 2, blk_body, 0)

    g0 = N_FULL - 1
    load_idx(g0 + 1, 1, TAIL)
    start_gather(1, TAIL)
    wait_gather(0)
    store(g0, 0)
    wait_gather(1, TAIL)
    store(g0 + 1, 1, TAIL)


_gather_call = functools.partial(
    pl.kernel,
    out_type=jax.ShapeDtypeStruct((B_TOTAL, HIDDEN), jnp.float32),
    mesh=plsc.VectorSubcoreMesh(core_axis_name="c", subcore_axis_name="s"),
    scratch_types=[
        pltpu.VMEM((NBUF, CB), jnp.int32),
        pltpu.VMEM((NBUF, CB, HIDDEN), jnp.float32),
        pltpu.SemaphoreType.DMA,
        pltpu.SemaphoreType.DMA,
    ],
)(_emb_body)


def kernel(text, embedding_table):
    flat_idx = text.reshape(-1).astype(jnp.int32)
    out = _gather_call(embedding_table, flat_idx)
    return out.reshape(text.shape + (embedding_table.shape[-1],))

# --- scband reference (transcript-rebuilt; emitter-appended) ---
"""Pipeline reference for scband-expand-embedding-49718541418909 (READ-ONLY COPY).

The authoritative reference and input builder live on the scoring server;
editing this copy changes nothing except your own understanding.
"""

import jax, jax.numpy as jnp
import numpy as np

VOCAB_SIZE = 30522
HIDDEN_DIM = 512


def setup_inputs(seed: int = 0) -> dict:
    key = jax.random.key(seed)
    k_idx, k_tab = jax.random.split(key)
    text = jax.random.randint(k_idx, (4096, 200), 0, VOCAB_SIZE, dtype=jnp.int64 if jax.config.jax_enable_x64 else jnp.int32)
    # nn.Embedding default init: N(0, 1)
    embedding_table = jax.random.normal(k_tab, (VOCAB_SIZE, HIDDEN_DIM), dtype=jnp.float32)
    return {"text": text, "embedding_table": embedding_table}


def reference(text, embedding_table):
    # Faithful translation of nn.Embedding forward: gather rows by index.
    return jnp.take(embedding_table, text, axis=0)

if __name__ == "__main__":
    import jax
    _d = setup_inputs()
    print(jax.jit(kernel)(*tuple(_d.values())))

</pallas_src>

<mosaic_0001>
#map = affine_map<(d0, d1) -> (0, 0)>
#map1 = affine_map<(d0, d1) -> (0)>
module attributes {stable_mosaic.version = 14 : i64} {
  func.func @_emb_body(%arg0: i32, %arg1: i32, %arg2: memref<30522x512xf32, #tpu.memory_space<hbm>>, %arg3: memref<819200xi32, #tpu.memory_space<hbm>>, %arg4: memref<819200x512xf32, #tpu.memory_space<hbm>>, %arg5: memref<2x120xi32, #tpu.memory_space<vmem>>, %arg6: memref<2x120x512xf32, #tpu.memory_space<vmem>>, %arg7: memref<!tpu.dma_semaphore, #tpu.memory_space<semaphore_mem>>, %arg8: memref<!tpu.dma_semaphore, #tpu.memory_space<semaphore_mem>>) attributes {dimension_semantics = [#tpu.dimension_semantics<core_parallel>, #tpu.dimension_semantics<subcore_parallel>], iteration_bounds = array<i64: 2, 16>, scalar_prefetch = 0 : i64, scratch_operands = 4 : i64, tpu.core_type = #tpu.core_type<sc_vector_subcore>, window_params = [{transform_indices = #map}, {transform_indices = #map1}, {transform_indices = #map}]} {
    %mul3A = arith.constant 2 : i32
    %mul3A_0 = arith.muli %arg1, %mul3A : i32
    %add3A = arith.addi %mul3A_0, %arg0 : i32
    %mul3A_1 = arith.constant 25600 : i32
    %mul3A_2 = arith.muli %add3A, %mul3A_1 : i32
    %add3A_3 = arith.constant 0 : i32
    %add3A_4 = arith.addi %mul3A_2, %add3A_3 : i32
    %run_scoped3A = arith.constant 0 : i32
    "tpu.region"() ({
      %run_scoped3A_65 = tpu.sem_alloc : memref<!tpu.dma_semaphore, #tpu.memory_space<semaphore_mem>>
      %dma_start3A_66 = arith.constant 0 : i32
      %dma_start3A_67 = tpu.memref_slice %arg5[%run_scoped3A, %dma_start3A_66] : memref<2x120xi32, #tpu.memory_space<vmem>> -> memref<1x120xi32, #tpu.memory_space<vmem>>
      %dma_start3A_68 = tpu.memref_squeeze %dma_start3A_67 : memref<1x120xi32, #tpu.memory_space<vmem>> -> memref<120xi32, #tpu.memory_space<vmem>>
      %dma_start3A_69 = tpu.memref_slice %arg3[%add3A_4] : memref<819200xi32, #tpu.memory_space<hbm>> -> memref<120xi32, #tpu.memory_space<hbm>>
      %dma_start3A_70 = arith.constant 0 : i32
      %dma_start3A_71 = tpu.memref_slice %arg5[%run_scoped3A, %dma_start3A_70] : memref<2x120xi32, #tpu.memory_space<vmem>> -> memref<1x120xi32, #tpu.memory_space<vmem>>
      %dma_start3A_72 = tpu.memref_squeeze %dma_start3A_71 : memref<1x120xi32, #tpu.memory_space<vmem>> -> memref<120xi32, #tpu.memory_space<vmem>>
      %dma_start3A_73 = tpu.memref_slice %arg3[%add3A_4] : memref<819200xi32, #tpu.memory_space<hbm>> -> memref<120xi32, #tpu.memory_space<hbm>>
      tpu.enqueue_dma source(%dma_start3A_73 : memref<120xi32, #tpu.memory_space<hbm>>) target(%dma_start3A_72 : memref<120xi32, #tpu.memory_space<vmem>>) target_semaphore(%run_scoped3A_65 : memref<!tpu.dma_semaphore, #tpu.memory_space<semaphore_mem>>)
      %dma_wait3A_74 = arith.constant 0 : i32
      %dma_wait3A_75 = tpu.memref_slice %arg5[%run_scoped3A, %dma_wait3A_74] : memref<2x120xi32, #tpu.memory_space<vmem>> -> memref<1x120xi32, #tpu.memory_space<vmem>>
      %dma_wait3A_76 = tpu.memref_squeeze %dma_wait3A_75 : memref<1x120xi32, #tpu.memory_space<vmem>> -> memref<120xi32, #tpu.memory_space<vmem>>
      %dma_wait3A_77 = tpu.memref_slice %arg3[%add3A_4] : memref<819200xi32, #tpu.memory_space<hbm>> -> memref<120xi32, #tpu.memory_space<hbm>>
      %dma_wait3A_78 = arith.constant 0 : i32
      %dma_wait3A_79 = tpu.memref_slice %arg5[%run_scoped3A, %dma_wait3A_78] : memref<2x120xi32, #tpu.memory_space<vmem>> -> memref<1x120xi32, #tpu.memory_space<vmem>>
      %dma_wait3A_80 = tpu.memref_squeeze %dma_wait3A_79 : memref<1x120xi32, #tpu.memory_space<vmem>> -> memref<120xi32, #tpu.memory_space<vmem>>
      %dma_wait3A_81 = tpu.memref_slice %arg3[%add3A_4] : memref<819200xi32, #tpu.memory_space<hbm>> -> memref<120xi32, #tpu.memory_space<hbm>>
      tpu.wait_dma2 semaphore(%run_scoped3A_65 : memref<!tpu.dma_semaphore, #tpu.memory_space<semaphore_mem>>) src(%dma_wait3A_81 : memref<120xi32, #tpu.memory_space<hbm>>) dst(%dma_wait3A_80 : memref<120xi32, #tpu.memory_space<vmem>>)
      tpu.yield
    }) : () -> ()
    %dma_start3A = arith.constant 0 : i32
    %dma_start3A_5 = arith.constant 0 : i32
    %dma_start3A_6 = arith.constant 0 : i32
    %dma_start3A_7 = arith.constant 0 : i32
    %dma_start3A_8 = tpu.memref_slice %arg6[%dma_start3A_5, %dma_start3A_6, %dma_start3A_7] : memref<2x120x512xf32, #tpu.memory_space<vmem>> -> memref<1x120x512xf32, #tpu.memory_space<vmem>>
    %dma_start3A_9 = tpu.memref_squeeze %dma_start3A_8 : memref<1x120x512xf32, #tpu.memory_space<vmem>> -> memref<120x512xf32, #tpu.memory_space<vmem>>
    %dma_start3A_10 = arith.constant 0 : i32
    %dma_start3A_11 = tpu.memref_slice %arg5[%dma_start3A, %dma_start3A_10] : memref<2x120xi32, #tpu.memory_space<vmem>> -> memref<1x120xi32, #tpu.memory_space<vmem>>
    %dma_start3A_12 = tpu.memref_squeeze %dma_start3A_11 : memref<1x120xi32, #tpu.memory_space<vmem>> -> memref<120xi32, #tpu.memory_space<vmem>>
    %dma_start3A_13 = arith.constant 0 : i32
    %dma_start3A_14 = arith.constant 0 : i32
    %dma_start3A_15 = tpu.memref_slice %arg2[%dma_start3A_13, %dma_start3A_14] : memref<30522x512xf32, #tpu.memory_space<hbm>> -> memref<30522x512xf32, #tpu.memory_space<hbm>>
    tpu.enqueue_indirect_dma source(%dma_start3A_15 : memref<30522x512xf32, #tpu.memory_space<hbm>>) target(%dma_start3A_9 : memref<120x512xf32, #tpu.memory_space<vmem>>) offsets(%dma_start3A_12 : memref<120xi32, #tpu.memory_space<vmem>>) semaphore(%arg7 : memref<!tpu.dma_semaphore, #tpu.memory_space<semaphore_mem>>)
    %scan3A = arith.constant 0 : i32
    %scan3A_16 = arith.constant 0 : i32
    %scan3A_17 = arith.constant 106 : i32
    %scan3A_18 = arith.addi %scan3A_16, %scan3A_17 : i32
    %scan3A_19 = arith.constant 1 : i32
    scf.for %scan3A_65 = %scan3A_16 to %scan3A_18 step %scan3A_19  : i32 {
      %mul3A_66 = arith.constant 2 : i32
      %mul3A_67 = arith.muli %scan3A_65, %mul3A_66 : i32
      %add3A_68 = arith.constant 0 : i32
      %add3A_69 = arith.addi %mul3A_67, %add3A_68 : i32
      %add3A_70 = arith.constant 1 : i32
      %add3A_71 = arith.addi %add3A_69, %add3A_70 : i32
      %mul3A_72 = arith.constant 120 : i32
      %mul3A_73 = arith.muli %add3A_71, %mul3A_72 : i32
      %add3A_74 = arith.addi %mul3A_2, %mul3A_73 : i32
      %run_scoped3A_75 = arith.constant 1 : i32
      "tpu.region"() ({
        %run_scoped3A_142 = tpu.sem_alloc : memref<!tpu.dma_semaphore, #tpu.memory_space<semaphore_mem>>
        %dma_start3A_143 = arith.constant 0 : i32
        %dma_start3A_144 = tpu.memref_slice %arg5[%run_scoped3A_75, %dma_start3A_143] : memref<2x120xi32, #tpu.memory_space<vmem>> -> memref<1x120xi32, #tpu.memory_space<vmem>>
        %dma_start3A_145 = tpu.memref_squeeze %dma_start3A_144 : memref<1x120xi32, #tpu.memory_space<vmem>> -> memref<120xi32, #tpu.memory_space<vmem>>
        %dma_start3A_146 = tpu.memref_slice %arg3[%add3A_74] : memref<819200xi32, #tpu.memory_space<hbm>> -> memref<120xi32, #tpu.memory_space<hbm>>
        %dma_start3A_147 = arith.constant 0 : i32
        %dma_start3A_148 = tpu.memref_slice %arg5[%run_scoped3A_75, %dma_start3A_147] : memref<2x120xi32, #tpu.memory_space<vmem>> -> memref<1x120xi32, #tpu.memory_space<vmem>>
        %dma_start3A_149 = tpu.memref_squeeze %dma_start3A_148 : memref<1x120xi32, #tpu.memory_space<vmem>> -> memref<120xi32, #tpu.memory_space<vmem>>
        %dma_start3A_150 = tpu.memref_slice %arg3[%add3A_74] : memref<819200xi32, #tpu.memory_space<hbm>> -> memref<120xi32, #tpu.memory_space<hbm>>
        tpu.enqueue_dma source(%dma_start3A_150 : memref<120xi32, #tpu.memory_space<hbm>>) target(%dma_start3A_149 : memref<120xi32, #tpu.memory_space<vmem>>) target_semaphore(%run_scoped3A_142 : memref<!tpu.dma_semaphore, #tpu.memory_space<semaphore_mem>>)
        %dma_wait3A_151 = arith.constant 0 : i32
        %dma_wait3A_152 = tpu.memref_slice %arg5[%run_scoped3A_75, %dma_wait3A_151] : memref<2x120xi32, #tpu.memory_space<vmem>> -> memref<1x120xi32, #tpu.memory_space<vmem>>
        %dma_wait3A_153 = tpu.memref_squeeze %dma_wait3A_152 : memref<1x120xi32, #tpu.memory_space<vmem>> -> memref<120xi32, #tpu.memory_space<vmem>>
        %dma_wait3A_154 = tpu.memref_slice %arg3[%add3A_74] : memref<819200xi32, #tpu.memory_space<hbm>> -> memref<120xi32, #tpu.memory_space<hbm>>
        %dma_wait3A_155 = arith.constant 0 : i32
        %dma_wait3A_156 = tpu.memref_slice %arg5[%run_scoped3A_75, %dma_wait3A_155] : memref<2x120xi32, #tpu.memory_space<vmem>> -> memref<1x120xi32, #tpu.memory_space<vmem>>
        %dma_wait3A_157 = tpu.memref_squeeze %dma_wait3A_156 : memref<1x120xi32, #tpu.memory_space<vmem>> -> memref<120xi32, #tpu.memory_space<vmem>>
        %dma_wait3A_158 = tpu.memref_slice %arg3[%add3A_74] : memref<819200xi32, #tpu.memory_space<hbm>> -> memref<120xi32, #tpu.memory_space<hbm>>
        tpu.wait_dma2 semaphore(%run_scoped3A_142 : memref<!tpu.dma_semaphore, #tpu.memory_space<semaphore_mem>>) src(%dma_wait3A_158 : memref<120xi32, #tpu.memory_space<hbm>>) dst(%dma_wait3A_157 : memref<120xi32, #tpu.memory_space<vmem>>)
        tpu.yield
      }) : () -> ()
      %dma_start3A_76 = arith.constant 1 : i32
      %dma_start3A_77 = arith.constant 1 : i32
      %dma_start3A_78 = arith.constant 0 : i32
      %dma_start3A_79 = arith.constant 0 : i32
      %dma_start3A_80 = tpu.memref_slice %arg6[%dma_start3A_77, %dma_start3A_78, %dma_start3A_79] : memref<2x120x512xf32, #tpu.memory_space<vmem>> -> memref<1x120x512xf32, #tpu.memory_space<vmem>>
      %dma_start3A_81 = tpu.memref_squeeze %dma_start3A_80 : memref<1x120x512xf32, #tpu.memory_space<vmem>> -> memref<120x512xf32, #tpu.memory_space<vmem>>
      %dma_start3A_82 = arith.constant 0 : i32
      %dma_start3A_83 = tpu.memref_slice %arg5[%dma_start3A_76, %dma_start3A_82] : memref<2x120xi32, #tpu.memory_space<vmem>> -> memref<1x120xi32, #tpu.memory_space<vmem>>
      %dma_start3A_84 = tpu.memref_squeeze %dma_start3A_83 : memref<1x120xi32, #tpu.memory_space<vmem>> -> memref<120xi32, #tpu.memory_space<vmem>>
      %dma_start3A_85 = arith.constant 0 : i32
      %dma_start3A_86 = arith.constant 0 : i32
      %dma_start3A_87 = tpu.memref_slice %arg2[%dma_start3A_85, %dma_start3A_86] : memref<30522x512xf32, #tpu.memory_space<hbm>> -> memref<30522x512xf32, #tpu.memory_space<hbm>>
      tpu.enqueue_indirect_dma source(%dma_start3A_87 : memref<30522x512xf32, #tpu.memory_space<hbm>>) target(%dma_start3A_81 : memref<120x512xf32, #tpu.memory_space<vmem>>) offsets(%dma_start3A_84 : memref<120xi32, #tpu.memory_space<vmem>>) semaphore(%arg8 : memref<!tpu.dma_semaphore, #tpu.memory_space<semaphore_mem>>)
      %dma_wait3A_88 = arith.constant 0 : i32
      %dma_wait3A_89 = arith.constant 0 : i32
      %dma_wait3A_90 = arith.constant 0 : i32
      %dma_wait3A_91 = arith.constant 0 : i32
      %dma_wait3A_92 = tpu.memref_slice %arg6[%dma_wait3A_89, %dma_wait3A_90, %dma_wait3A_91] : memref<2x120x512xf32, #tpu.memory_space<vmem>> -> memref<1x120x512xf32, #tpu.memory_space<vmem>>
      %dma_wait3A_93 = tpu.memref_squeeze %dma_wait3A_92 : memref<1x120x512xf32, #tpu.memory_space<vmem>> -> memref<120x512xf32, #tpu.memory_space<vmem>>
      %dma_wait3A_94 = arith.constant 0 : i32
      %dma_wait3A_95 = tpu.memref_slice %arg5[%dma_wait3A_88, %dma_wait3A_94] : memref<2x120xi32, #tpu.memory_space<vmem>> -> memref<1x120xi32, #tpu.memory_space<vmem>>
      %dma_wait3A_96 = tpu.memref_squeeze %dma_wait3A_95 : memref<1x120xi32, #tpu.memory_space<vmem>> -> memref<120xi32, #tpu.memory_space<vmem>>
      %dma_wait3A_97 = arith.constant 0 : i32
      %dma_wait3A_98 = arith.constant 0 : i32
      %dma_wait3A_99 = tpu.memref_slice %arg2[%dma_wait3A_97, %dma_wait3A_98] : memref<30522x512xf32, #tpu.memory_space<hbm>> -> memref<30522x512xf32, #tpu.memory_space<hbm>>
      tpu.wait_indirect_dma semaphore(%arg7 : memref<!tpu.dma_semaphore, #tpu.memory_space<semaphore_mem>>) src(%dma_wait3A_99 : memref<30522x512xf32, #tpu.memory_space<hbm>>) dst(%dma_wait3A_93 : memref<120x512xf32, #tpu.memory_space<vmem>>)
      %mul3A_100 = arith.constant 120 : i32
      %mul3A_101 = arith.muli %add3A_69, %mul3A_100 : i32
      %add3A_102 = arith.addi %mul3A_2, %mul3A_101 : i32
      %run_scoped3A_103 = arith.constant 0 : i32
      "tpu.region"() ({
        %run_scoped3A_142 = tpu.sem_alloc : memref<!tpu.dma_semaphore, #tpu.memory_space<semaphore_mem>>
        %dma_start3A_143 = arith.constant 0 : i32
        %dma_start3A_144 = arith.constant 0 : i32
        %dma_start3A_145 = tpu.memref_slice %arg6[%run_scoped3A_103, %dma_start3A_143, %dma_start3A_144] : memref<2x120x512xf32, #tpu.memory_space<vmem>> -> memref<1x120x512xf32, #tpu.memory_space<vmem>>
        %dma_start3A_146 = tpu.memref_squeeze %dma_start3A_145 : memref<1x120x512xf32, #tpu.memory_space<vmem>> -> memref<120x512xf32, #tpu.memory_space<vmem>>
        %dma_start3A_147 = arith.constant 0 : i32
        %dma_start3A_148 = tpu.memref_slice %arg4[%add3A_102, %dma_start3A_147] : memref<819200x512xf32, #tpu.memory_space<hbm>> -> memref<120x512xf32, #tpu.memory_space<hbm>>
        %dma_start3A_149 = arith.constant 0 : i32
        %dma_start3A_150 = tpu.memref_slice %arg4[%add3A_102, %dma_start3A_149] : memref<819200x512xf32, #tpu.memory_space<hbm>> -> memref<120x512xf32, #tpu.memory_space<hbm>>
        %dma_start3A_151 = arith.constant 0 : i32
        %dma_start3A_152 = arith.constant 0 : i32
        %dma_start3A_153 = tpu.memref_slice %arg6[%run_scoped3A_103, %dma_start3A_151, %dma_start3A_152] : memref<2x120x512xf32, #tpu.memory_space<vmem>> -> memref<1x120x512xf32, #tpu.memory_space<vmem>>
        %dma_start3A_154 = tpu.memref_squeeze %dma_start3A_153 : memref<1x120x512xf32, #tpu.memory_space<vmem>> -> memref<120x512xf32, #tpu.memory_space<vmem>>
        tpu.enqueue_dma source(%dma_start3A_154 : memref<120x512xf32, #tpu.memory_space<vmem>>) target(%dma_start3A_150 : memref<120x512xf32, #tpu.memory_space<hbm>>) target_semaphore(%run_scoped3A_142 : memref<!tpu.dma_semaphore, #tpu.memory_space<semaphore_mem>>)
        %dma_wait3A_155 = arith.constant 0 : i32
        %dma_wait3A_156 = arith.constant 0 : i32
        %dma_wait3A_157 = tpu.memref_slice %arg6[%run_scoped3A_103, %dma_wait3A_155, %dma_wait3A_156] : memref<2x120x512xf32, #tpu.memory_space<vmem>> -> memref<1x120x512xf32, #tpu.memory_space<vmem>>
        %dma_wait3A_158 = tpu.memref_squeeze %dma_wait3A_157 : memref<1x120x512xf32, #tpu.memory_space<vmem>> -> memref<120x512xf32, #tpu.memory_space<vmem>>
        %dma_wait3A_159 = arith.constant 0 : i32
        %dma_wait3A_160 = tpu.memref_slice %arg4[%add3A_102, %dma_wait3A_159] : memref<819200x512xf32, #tpu.memory_space<hbm>> -> memref<120x512xf32, #tpu.memory_space<hbm>>
        %dma_wait3A_161 = arith.constant 0 : i32
        %dma_wait3A_162 = tpu.memref_slice %arg4[%add3A_102, %dma_wait3A_161] : memref<819200x512xf32, #tpu.memory_space<hbm>> -> memref<120x512xf32, #tpu.memory_space<hbm>>
        %dma_wait3A_163 = arith.constant 0 : i32
        %dma_wait3A_164 = arith.constant 0 : i32
        %dma_wait3A_165 = tpu.memref_slice %arg6[%run_scoped3A_103, %dma_wait3A_163, %dma_wait3A_164] : memref<2x120x512xf32, #tpu.memory_space<vmem>> -> memref<1x120x512xf32, #tpu.memory_space<vmem>>
        %dma_wait3A_166 = tpu.memref_squeeze %dma_wait3A_165 : memref<1x120x512xf32, #tpu.memory_space<vmem>> -> memref<120x512xf32, #tpu.memory_space<vmem>>
        tpu.wait_dma2 semaphore(%run_scoped3A_142 : memref<!tpu.dma_semaphore, #tpu.memory_space<semaphore_mem>>) src(%dma_wait3A_166 : memref<120x512xf32, #tpu.memory_space<vmem>>) dst(%dma_wait3A_162 : memref<120x512xf32, #tpu.memory_space<hbm>>)
        tpu.yield
      }) : () -> ()
      %mul3A_104 = arith.constant 2 : i32
      %mul3A_105 = arith.muli %scan3A_65, %mul3A_104 : i32
      %add3A_106 = arith.constant 1 : i32
      %add3A_107 = arith.addi %mul3A_105, %add3A_106 : i32
      %add3A_108 = arith.constant 1 : i32
      %add3A_109 = arith.addi %add3A_107, %add3A_108 : i32
      %mul3A_110 = arith.constant 120 : i32
      %mul3A_111 = arith.muli %add3A_109, %mul3A_110 : i32
      %add3A_112 = arith.addi %mul3A_2, %mul3A_111 : i32
      %run_scoped3A_113 = arith.constant 0 : i32
      "tpu.region"() ({
        %run_scoped3A_142 = tpu.sem_alloc : memref<!tpu.dma_semaphore, #tpu.memory_space<semaphore_mem>>
        %dma_start3A_143 = arith.constant 0 : i32
        %dma_start3A_144 = tpu.memref_slice %arg5[%run_scoped3A_113, %dma_start3A_143] : memref<2x120xi32, #tpu.memory_space<vmem>> -> memref<1x120xi32, #tpu.memory_space<vmem>>
        %dma_start3A_145 = tpu.memref_squeeze %dma_start3A_144 : memref<1x120xi32, #tpu.memory_space<vmem>> -> memref<120xi32, #tpu.memory_space<vmem>>
        %dma_start3A_146 = tpu.memref_slice %arg3[%add3A_112] : memref<819200xi32, #tpu.memory_space<hbm>> -> memref<120xi32, #tpu.memory_space<hbm>>
        %dma_start3A_147 = arith.constant 0 : i32
        %dma_start3A_148 = tpu.memref_slice %arg5[%run_scoped3A_113, %dma_start3A_147] : memref<2x120xi32, #tpu.memory_space<vmem>> -> memref<1x120xi32, #tpu.memory_space<vmem>>
        %dma_start3A_149 = tpu.memref_squeeze %dma_start3A_148 : memref<1x120xi32, #tpu.memory_space<vmem>> -> memref<120xi32, #tpu.memory_space<vmem>>
        %dma_start3A_150 = tpu.memref_slice %arg3[%add3A_112] : memref<819200xi32, #tpu.memory_space<hbm>> -> memref<120xi32, #tpu.memory_space<hbm>>
        tpu.enqueue_dma source(%dma_start3A_150 : memref<120xi32, #tpu.memory_space<hbm>>) target(%dma_start3A_149 : memref<120xi32, #tpu.memory_space<vmem>>) target_semaphore(%run_scoped3A_142 : memref<!tpu.dma_semaphore, #tpu.memory_space<semaphore_mem>>)
        %dma_wait3A_151 = arith.constant 0 : i32
        %dma_wait3A_152 = tpu.memref_slice %arg5[%run_scoped3A_113, %dma_wait3A_151] : memref<2x120xi32, #tpu.memory_space<vmem>> -> memref<1x120xi32, #tpu.memory_space<vmem>>
        %dma_wait3A_153 = tpu.memref_squeeze %dma_wait3A_152 : memref<1x120xi32, #tpu.memory_space<vmem>> -> memref<120xi32, #tpu.memory_space<vmem>>
        %dma_wait3A_154 = tpu.memref_slice %arg3[%add3A_112] : memref<819200xi32, #tpu.memory_space<hbm>> -> memref<120xi32, #tpu.memory_space<hbm>>
        %dma_wait3A_155 = arith.constant 0 : i32
        %dma_wait3A_156 = tpu.memref_slice %arg5[%run_scoped3A_113, %dma_wait3A_155] : memref<2x120xi32, #tpu.memory_space<vmem>> -> memref<1x120xi32, #tpu.memory_space<vmem>>
        %dma_wait3A_157 = tpu.memref_squeeze %dma_wait3A_156 : memref<1x120xi32, #tpu.memory_space<vmem>> -> memref<120xi32, #tpu.memory_space<vmem>>
        %dma_wait3A_158 = tpu.memref_slice %arg3[%add3A_112] : memref<819200xi32, #tpu.memory_space<hbm>> -> memref<120xi32, #tpu.memory_space<hbm>>
        tpu.wait_dma2 semaphore(%run_scoped3A_142 : memref<!tpu.dma_semaphore, #tpu.memory_space<semaphore_mem>>) src(%dma_wait3A_158 : memref<120xi32, #tpu.memory_space<hbm>>) dst(%dma_wait3A_157 : memref<120xi32, #tpu.memory_space<vmem>>)
        tpu.yield
      }) : () -> ()
      %dma_start3A_114 = arith.constant 0 : i32
      %dma_start3A_115 = arith.constant 0 : i32
      %dma_start3A_116 = arith.constant 0 : i32
      %dma_start3A_117 = arith.constant 0 : i32
      %dma_start3A_118 = tpu.memref_slice %arg6[%dma_start3A_115, %dma_start3A_116, %dma_start3A_117] : memref<2x120x512xf32, #tpu.memory_space<vmem>> -> memref<1x120x512xf32, #tpu.memory_space<vmem>>
      %dma_start3A_119 = tpu.memref_squeeze %dma_start3A_118 : memref<1x120x512xf32, #tpu.memory_space<vmem>> -> memref<120x512xf32, #tpu.memory_space<vmem>>
      %dma_start3A_120 = arith.constant 0 : i32
      %dma_start3A_121 = tpu.memref_slice %arg5[%dma_start3A_114, %dma_start3A_120] : memref<2x120xi32, #tpu.memory_space<vmem>> -> memref<1x120xi32, #tpu.memory_space<vmem>>
      %dma_start3A_122 = tpu.memref_squeeze %dma_start3A_121 : memref<1x120xi32, #tpu.memory_space<vmem>> -> memref<120xi32, #tpu.memory_space<vmem>>
      %dma_start3A_123 = arith.constant 0 : i32
      %dma_start3A_124 = arith.constant 0 : i32
      %dma_start3A_125 = tpu.memref_slice %arg2[%dma_start3A_123, %dma_start3A_124] : memref<30522x512xf32, #tpu.memory_space<hbm>> -> memref<30522x512xf32, #tpu.memory_space<hbm>>
      tpu.enqueue_indirect_dma source(%dma_start3A_125 : memref<30522x512xf32, #tpu.memory_space<hbm>>) target(%dma_start3A_119 : memref<120x512xf32, #tpu.memory_space<vmem>>) offsets(%dma_start3A_122 : memref<120xi32, #tpu.memory_space<vmem>>) semaphore(%arg7 : memref<!tpu.dma_semaphore, #tpu.memory_space<semaphore_mem>>)
      %dma_wait3A_126 = arith.constant 1 : i32
      %dma_wait3A_127 = arith.constant 1 : i32
      %dma_wait3A_128 = arith.constant 0 : i32
      %dma_wait3A_129 = arith.constant 0 : i32
      %dma_wait3A_130 = tpu.memref_slice %arg6[%dma_wait3A_127, %dma_wait3A_128, %dma_wait3A_129] : memref<2x120x512xf32, #tpu.memory_space<vmem>> -> memref<1x120x512xf32, #tpu.memory_space<vmem>>
      %dma_wait3A_131 = tpu.memref_squeeze %dma_wait3A_130 : memref<1x120x512xf32, #tpu.memory_space<vmem>> -> memref<120x512xf32, #tpu.memory_space<vmem>>
      %dma_wait3A_132 = arith.constant 0 : i32
      %dma_wait3A_133 = tpu.memref_slice %arg5[%dma_wait3A_126, %dma_wait3A_132] : memref<2x120xi32, #tpu.memory_space<vmem>> -> memref<1x120xi32, #tpu.memory_space<vmem>>
      %dma_wait3A_134 = tpu.memref_squeeze %dma_wait3A_133 : memref<1x120xi32, #tpu.memory_space<vmem>> -> memref<120xi32, #tpu.memory_space<vmem>>
      %dma_wait3A_135 = arith.constant 0 : i32
      %dma_wait3A_136 = arith.constant 0 : i32
      %dma_wait3A_137 = tpu.memref_slice %arg2[%dma_wait3A_135, %dma_wait3A_136] : memref<30522x512xf32, #tpu.memory_space<hbm>> -> memref<30522x512xf32, #tpu.memory_space<hbm>>
      tpu.wait_indirect_dma semaphore(%arg8 : memref<!tpu.dma_semaphore, #tpu.memory_space<semaphore_mem>>) src(%dma_wait3A_137 : memref<30522x512xf32, #tpu.memory_space<hbm>>) dst(%dma_wait3A_131 : memref<120x512xf32, #tpu.memory_space<vmem>>)
      %mul3A_138 = arith.constant 120 : i32
      %mul3A_139 = arith.muli %add3A_107, %mul3A_138 : i32
      %add3A_140 = arith.addi %mul3A_2, %mul3A_139 : i32
      %run_scoped3A_141 = arith.constant 1 : i32
      "tpu.region"() ({
        %run_scoped3A_142 = tpu.sem_alloc : memref<!tpu.dma_semaphore, #tpu.memory_space<semaphore_mem>>
        %dma_start3A_143 = arith.constant 0 : i32
        %dma_start3A_144 = arith.constant 0 : i32
        %dma_start3A_145 = tpu.memref_slice %arg6[%run_scoped3A_141, %dma_start3A_143, %dma_start3A_144] : memref<2x120x512xf32, #tpu.memory_space<vmem>> -> memref<1x120x512xf32, #tpu.memory_space<vmem>>
        %dma_start3A_146 = tpu.memref_squeeze %dma_start3A_145 : memref<1x120x512xf32, #tpu.memory_space<vmem>> -> memref<120x512xf32, #tpu.memory_space<vmem>>
        %dma_start3A_147 = arith.constant 0 : i32
        %dma_start3A_148 = tpu.memref_slice %arg4[%add3A_140, %dma_start3A_147] : memref<819200x512xf32, #tpu.memory_space<hbm>> -> memref<120x512xf32, #tpu.memory_space<hbm>>
        %dma_start3A_149 = arith.constant 0 : i32
        %dma_start3A_150 = tpu.memref_slice %arg4[%add3A_140, %dma_start3A_149] : memref<819200x512xf32, #tpu.memory_space<hbm>> -> memref<120x512xf32, #tpu.memory_space<hbm>>
        %dma_start3A_151 = arith.constant 0 : i32
        %dma_start3A_152 = arith.constant 0 : i32
        %dma_start3A_153 = tpu.memref_slice %arg6[%run_scoped3A_141, %dma_start3A_151, %dma_start3A_152] : memref<2x120x512xf32, #tpu.memory_space<vmem>> -> memref<1x120x512xf32, #tpu.memory_space<vmem>>
        %dma_start3A_154 = tpu.memref_squeeze %dma_start3A_153 : memref<1x120x512xf32, #tpu.memory_space<vmem>> -> memref<120x512xf32, #tpu.memory_space<vmem>>
        tpu.enqueue_dma source(%dma_start3A_154 : memref<120x512xf32, #tpu.memory_space<vmem>>) target(%dma_start3A_150 : memref<120x512xf32, #tpu.memory_space<hbm>>) target_semaphore(%run_scoped3A_142 : memref<!tpu.dma_semaphore, #tpu.memory_space<semaphore_mem>>)
        %dma_wait3A_155 = arith.constant 0 : i32
        %dma_wait3A_156 = arith.constant 0 : i32
        %dma_wait3A_157 = tpu.memref_slice %arg6[%run_scoped3A_141, %dma_wait3A_155, %dma_wait3A_156] : memref<2x120x512xf32, #tpu.memory_space<vmem>> -> memref<1x120x512xf32, #tpu.memory_space<vmem>>
        %dma_wait3A_158 = tpu.memref_squeeze %dma_wait3A_157 : memref<1x120x512xf32, #tpu.memory_space<vmem>> -> memref<120x512xf32, #tpu.memory_space<vmem>>
        %dma_wait3A_159 = arith.constant 0 : i32
        %dma_wait3A_160 = tpu.memref_slice %arg4[%add3A_140, %dma_wait3A_159] : memref<819200x512xf32, #tpu.memory_space<hbm>> -> memref<120x512xf32, #tpu.memory_space<hbm>>
        %dma_wait3A_161 = arith.constant 0 : i32
        %dma_wait3A_162 = tpu.memref_slice %arg4[%add3A_140, %dma_wait3A_161] : memref<819200x512xf32, #tpu.memory_space<hbm>> -> memref<120x512xf32, #tpu.memory_space<hbm>>
        %dma_wait3A_163 = arith.constant 0 : i32
        %dma_wait3A_164 = arith.constant 0 : i32
        %dma_wait3A_165 = tpu.memref_slice %arg6[%run_scoped3A_141, %dma_wait3A_163, %dma_wait3A_164] : memref<2x120x512xf32, #tpu.memory_space<vmem>> -> memref<1x120x512xf32, #tpu.memory_space<vmem>>
        %dma_wait3A_166 = tpu.memref_squeeze %dma_wait3A_165 : memref<1x120x512xf32, #tpu.memory_space<vmem>> -> memref<120x512xf32, #tpu.memory_space<vmem>>
        tpu.wait_dma2 semaphore(%run_scoped3A_142 : memref<!tpu.dma_semaphore, #tpu.memory_space<semaphore_mem>>) src(%dma_wait3A_166 : memref<120x512xf32, #tpu.memory_space<vmem>>) dst(%dma_wait3A_162 : memref<120x512xf32, #tpu.memory_space<hbm>>)
        tpu.yield
      }) : () -> ()
    }
    %scan3A_20 = arith.constant 106 : i32
    %add3A_21 = arith.constant 25560 : i32
    %add3A_22 = arith.addi %mul3A_2, %add3A_21 : i32
    %run_scoped3A_23 = arith.constant 1 : i32
    "tpu.region"() ({
      %run_scoped3A_65 = tpu.sem_alloc : memref<!tpu.dma_semaphore, #tpu.memory_space<semaphore_mem>>
      %dma_start3A_66 = arith.constant 0 : i32
      %dma_start3A_67 = tpu.memref_slice %arg5[%run_scoped3A_23, %dma_start3A_66] : memref<2x120xi32, #tpu.memory_space<vmem>> -> memref<1x40xi32, #tpu.memory_space<vmem>>
      %dma_start3A_68 = tpu.memref_squeeze %dma_start3A_67 : memref<1x40xi32, #tpu.memory_space<vmem>> -> memref<40xi32, #tpu.memory_space<vmem>>
      %dma_start3A_69 = tpu.memref_slice %arg3[%add3A_22] : memref<819200xi32, #tpu.memory_space<hbm>> -> memref<40xi32, #tpu.memory_space<hbm>>
      %dma_start3A_70 = arith.constant 0 : i32
      %dma_start3A_71 = tpu.memref_slice %arg5[%run_scoped3A_23, %dma_start3A_70] : memref<2x120xi32, #tpu.memory_space<vmem>> -> memref<1x40xi32, #tpu.memory_space<vmem>>
      %dma_start3A_72 = tpu.memref_squeeze %dma_start3A_71 : memref<1x40xi32, #tpu.memory_space<vmem>> -> memref<40xi32, #tpu.memory_space<vmem>>
      %dma_start3A_73 = tpu.memref_slice %arg3[%add3A_22] : memref<819200xi32, #tpu.memory_space<hbm>> -> memref<40xi32, #tpu.memory_space<hbm>>
      tpu.enqueue_dma source(%dma_start3A_73 : memref<40xi32, #tpu.memory_space<hbm>>) target(%dma_start3A_72 : memref<40xi32, #tpu.memory_space<vmem>>) target_semaphore(%run_scoped3A_65 : memref<!tpu.dma_semaphore, #tpu.memory_space<semaphore_mem>>)
      %dma_wait3A_74 = arith.constant 0 : i32
      %dma_wait3A_75 = tpu.memref_slice %arg5[%run_scoped3A_23, %dma_wait3A_74] : memref<2x120xi32, #tpu.memory_space<vmem>> -> memref<1x40xi32, #tpu.memory_space<vmem>>
      %dma_wait3A_76 = tpu.memref_squeeze %dma_wait3A_75 : memref<1x40xi32, #tpu.memory_space<vmem>> -> memref<40xi32, #tpu.memory_space<vmem>>
      %dma_wait3A_77 = tpu.memref_slice %arg3[%add3A_22] : memref<819200xi32, #tpu.memory_space<hbm>> -> memref<40xi32, #tpu.memory_space<hbm>>
      %dma_wait3A_78 = arith.constant 0 : i32
      %dma_wait3A_79 = tpu.memref_slice %arg5[%run_scoped3A_23, %dma_wait3A_78] : memref<2x120xi32, #tpu.memory_space<vmem>> -> memref<1x40xi32, #tpu.memory_space<vmem>>
      %dma_wait3A_80 = tpu.memref_squeeze %dma_wait3A_79 : memref<1x40xi32, #tpu.memory_space<vmem>> -> memref<40xi32, #tpu.memory_space<vmem>>
      %dma_wait3A_81 = tpu.memref_slice %arg3[%add3A_22] : memref<819200xi32, #tpu.memory_space<hbm>> -> memref<40xi32, #tpu.memory_space<hbm>>
      tpu.wait_dma2 semaphore(%run_scoped3A_65 : memref<!tpu.dma_semaphore, #tpu.memory_space<semaphore_mem>>) src(%dma_wait3A_81 : memref<40xi32, #tpu.memory_space<hbm>>) dst(%dma_wait3A_80 : memref<40xi32, #tpu.memory_space<vmem>>)
      tpu.yield
    }) : () -> ()
    %dma_start3A_24 = arith.constant 1 : i32
    %dma_start3A_25 = arith.constant 1 : i32
    %dma_start3A_26 = arith.constant 0 : i32
    %dma_start3A_27 = arith.constant 0 : i32
    %dma_start3A_28 = tpu.memref_slice %arg6[%dma_start3A_25, %dma_start3A_26, %dma_start3A_27] : memref<2x120x512xf32, #tpu.memory_space<vmem>> -> memref<1x40x512xf32, #tpu.memory_space<vmem>>
    %dma_start3A_29 = tpu.memref_squeeze %dma_start3A_28 : memref<1x40x512xf32, #tpu.memory_space<vmem>> -> memref<40x512xf32, #tpu.memory_space<vmem>>
    %dma_start3A_30 = arith.constant 0 : i32
    %dma_start3A_31 = tpu.memref_slice %arg5[%dma_start3A_24, %dma_start3A_30] : memref<2x120xi32, #tpu.memory_space<vmem>> -> memref<1x40xi32, #tpu.memory_space<vmem>>
    %dma_start3A_32 = tpu.memref_squeeze %dma_start3A_31 : memref<1x40xi32, #tpu.memory_space<vmem>> -> memref<40xi32, #tpu.memory_space<vmem>>
    %dma_start3A_33 = arith.constant 0 : i32
    %dma_start3A_34 = arith.constant 0 : i32
    %dma_start3A_35 = tpu.memref_slice %arg2[%dma_start3A_33, %dma_start3A_34] : memref<30522x512xf32, #tpu.memory_space<hbm>> -> memref<30522x512xf32, #tpu.memory_space<hbm>>
    tpu.enqueue_indirect_dma source(%dma_start3A_35 : memref<30522x512xf32, #tpu.memory_space<hbm>>) target(%dma_start3A_29 : memref<40x512xf32, #tpu.memory_space<vmem>>) offsets(%dma_start3A_32 : memref<40xi32, #tpu.memory_space<vmem>>) semaphore(%arg8 : memref<!tpu.dma_semaphore, #tpu.memory_space<semaphore_mem>>)
    %dma_wait3A = arith.constant 0 : i32
    %dma_wait3A_36 = arith.constant 0 : i32
    %dma_wait3A_37 = arith.constant 0 : i32
    %dma_wait3A_38 = arith.constant 0 : i32
    %dma_wait3A_39 = tpu.memref_slice %arg6[%dma_wait3A_36, %dma_wait3A_37, %dma_wait3A_38] : memref<2x120x512xf32, #tpu.memory_space<vmem>> -> memref<1x120x512xf32, #tpu.memory_space<vmem>>
    %dma_wait3A_40 = tpu.memref_squeeze %dma_wait3A_39 : memref<1x120x512xf32, #tpu.memory_space<vmem>> -> memref<120x512xf32, #tpu.memory_space<vmem>>
    %dma_wait3A_41 = arith.constant 0 : i32
    %dma_wait3A_42 = tpu.memref_slice %arg5[%dma_wait3A, %dma_wait3A_41] : memref<2x120xi32, #tpu.memory_space<vmem>> -> memref<1x120xi32, #tpu.memory_space<vmem>>
    %dma_wait3A_43 = tpu.memref_squeeze %dma_wait3A_42 : memref<1x120xi32, #tpu.memory_space<vmem>> -> memref<120xi32, #tpu.memory_space<vmem>>
    %dma_wait3A_44 = arith.constant 0 : i32
    %dma_wait3A_45 = arith.constant 0 : i32
    %dma_wait3A_46 = tpu.memref_slice %arg2[%dma_wait3A_44, %dma_wait3A_45] : memref<30522x512xf32, #tpu.memory_space<hbm>> -> memref<30522x512xf32, #tpu.memory_space<hbm>>
    tpu.wait_indirect_dma semaphore(%arg7 : memref<!tpu.dma_semaphore, #tpu.memory_space<semaphore_mem>>) src(%dma_wait3A_46 : memref<30522x512xf32, #tpu.memory_space<hbm>>) dst(%dma_wait3A_40 : memref<120x512xf32, #tpu.memory_space<vmem>>)
    %add3A_47 = arith.constant 25440 : i32
    %add3A_48 = arith.addi %mul3A_2, %add3A_47 : i32
    %run_scoped3A_49 = arith.constant 0 : i32
    "tpu.region"() ({
      %run_scoped3A_65 = tpu.sem_alloc : memref<!tpu.dma_semaphore, #tpu.memory_space<semaphore_mem>>
      %dma_start3A_66 = arith.constant 0 : i32
      %dma_start3A_67 = arith.constant 0 : i32
      %dma_start3A_68 = tpu.memref_slice %arg6[%run_scoped3A_49, %dma_start3A_66, %dma_start3A_67] : memref<2x120x512xf32, #tpu.memory_space<vmem>> -> memref<1x120x512xf32, #tpu.memory_space<vmem>>
      %dma_start3A_69 = tpu.memref_squeeze %dma_start3A_68 : memref<1x120x512xf32, #tpu.memory_space<vmem>> -> memref<120x512xf32, #tpu.memory_space<vmem>>
      %dma_start3A_70 = arith.constant 0 : i32
      %dma_start3A_71 = tpu.memref_slice %arg4[%add3A_48, %dma_start3A_70] : memref<819200x512xf32, #tpu.memory_space<hbm>> -> memref<120x512xf32, #tpu.memory_space<hbm>>
      %dma_start3A_72 = arith.constant 0 : i32
      %dma_start3A_73 = tpu.memref_slice %arg4[%add3A_48, %dma_start3A_72] : memref<819200x512xf32, #tpu.memory_space<hbm>> -> memref<120x512xf32, #tpu.memory_space<hbm>>
      %dma_start3A_74 = arith.constant 0 : i32
      %dma_start3A_75 = arith.constant 0 : i32
      %dma_start3A_76 = tpu.memref_slice %arg6[%run_scoped3A_49, %dma_start3A_74, %dma_start3A_75] : memref<2x120x512xf32, #tpu.memory_space<vmem>> -> memref<1x120x512xf32, #tpu.memory_space<vmem>>
      %dma_start3A_77 = tpu.memref_squeeze %dma_start3A_76 : memref<1x120x512xf32, #tpu.memory_space<vmem>> -> memref<120x512xf32, #tpu.memory_space<vmem>>
      tpu.enqueue_dma source(%dma_start3A_77 : memref<120x512xf32, #tpu.memory_space<vmem>>) target(%dma_start3A_73 : memref<120x512xf32, #tpu.memory_space<hbm>>) target_semaphore(%run_scoped3A_65 : memref<!tpu.dma_semaphore, #tpu.memory_space<semaphore_mem>>)
      %dma_wait3A_78 = arith.constant 0 : i32
      %dma_wait3A_79 = arith.constant 0 : i32
      %dma_wait3A_80 = tpu.memref_slice %arg6[%run_scoped3A_49, %dma_wait3A_78, %dma_wait3A_79] : memref<2x120x512xf32, #tpu.memory_space<vmem>> -> memref<1x120x512xf32, #tpu.memory_space<vmem>>
      %dma_wait3A_81 = tpu.memref_squeeze %dma_wait3A_80 : memref<1x120x512xf32, #tpu.memory_space<vmem>> -> memref<120x512xf32, #tpu.memory_space<vmem>>
      %dma_wait3A_82 = arith.constant 0 : i32
      %dma_wait3A_83 = tpu.memref_slice %arg4[%add3A_48, %dma_wait3A_82] : memref<819200x512xf32, #tpu.memory_space<hbm>> -> memref<120x512xf32, #tpu.memory_space<hbm>>
      %dma_wait3A_84 = arith.constant 0 : i32
      %dma_wait3A_85 = tpu.memref_slice %arg4[%add3A_48, %dma_wait3A_84] : memref<819200x512xf32, #tpu.memory_space<hbm>> -> memref<120x512xf32, #tpu.memory_space<hbm>>
      %dma_wait3A_86 = arith.constant 0 : i32
      %dma_wait3A_87 = arith.constant 0 : i32
      %dma_wait3A_88 = tpu.memref_slice %arg6[%run_scoped3A_49, %dma_wait3A_86, %dma_wait3A_87] : memref<2x120x512xf32, #tpu.memory_space<vmem>> -> memref<1x120x512xf32, #tpu.memory_space<vmem>>
      %dma_wait3A_89 = tpu.memref_squeeze %dma_wait3A_88 : memref<1x120x512xf32, #tpu.memory_space<vmem>> -> memref<120x512xf32, #tpu.memory_space<vmem>>
      tpu.wait_dma2 semaphore(%run_scoped3A_65 : memref<!tpu.dma_semaphore, #tpu.memory_space<semaphore_mem>>) src(%dma_wait3A_89 : memref<120x512xf32, #tpu.memory_space<vmem>>) dst(%dma_wait3A_85 : memref<120x512xf32, #tpu.memory_space<hbm>>)
      tpu.yield
    }) : () -> ()
    %dma_wait3A_50 = arith.constant 1 : i32
    %dma_wait3A_51 = arith.constant 1 : i32
    %dma_wait3A_52 = arith.constant 0 : i32
    %dma_wait3A_53 = arith.constant 0 : i32
    %dma_wait3A_54 = tpu.memref_slice %arg6[%dma_wait3A_51, %dma_wait3A_52, %dma_wait3A_53] : memref<2x120x512xf32, #tpu.memory_space<vmem>> -> memref<1x40x512xf32, #tpu.memory_space<vmem>>
    %dma_wait3A_55 = tpu.memref_squeeze %dma_wait3A_54 : memref<1x40x512xf32, #tpu.memory_space<vmem>> -> memref<40x512xf32, #tpu.memory_space<vmem>>
    %dma_wait3A_56 = arith.constant 0 : i32
    %dma_wait3A_57 = tpu.memref_slice %arg5[%dma_wait3A_50, %dma_wait3A_56] : memref<2x120xi32, #tpu.memory_space<vmem>> -> memref<1x40xi32, #tpu.memory_space<vmem>>
    %dma_wait3A_58 = tpu.memref_squeeze %dma_wait3A_57 : memref<1x40xi32, #tpu.memory_space<vmem>> -> memref<40xi32, #tpu.memory_space<vmem>>
    %dma_wait3A_59 = arith.constant 0 : i32
    %dma_wait3A_60 = arith.constant 0 : i32
    %dma_wait3A_61 = tpu.memref_slice %arg2[%dma_wait3A_59, %dma_wait3A_60] : memref<30522x512xf32, #tpu.memory_space<hbm>> -> memref<30522x512xf32, #tpu.memory_space<hbm>>
    tpu.wait_indirect_dma semaphore(%arg8 : memref<!tpu.dma_semaphore, #tpu.memory_space<semaphore_mem>>) src(%dma_wait3A_61 : memref<30522x512xf32, #tpu.memory_space<hbm>>) dst(%dma_wait3A_55 : memref<40x512xf32, #tpu.memory_space<vmem>>)
    %add3A_62 = arith.constant 25560 : i32
    %add3A_63 = arith.addi %mul3A_2, %add3A_62 : i32
    %run_scoped3A_64 = arith.constant 1 : i32
    "tpu.region"() ({
      %run_scoped3A_65 = tpu.sem_alloc : memref<!tpu.dma_semaphore, #tpu.memory_space<semaphore_mem>>
      %dma_start3A_66 = arith.constant 0 : i32
      %dma_start3A_67 = arith.constant 0 : i32
      %dma_start3A_68 = tpu.memref_slice %arg6[%run_scoped3A_64, %dma_start3A_66, %dma_start3A_67] : memref<2x120x512xf32, #tpu.memory_space<vmem>> -> memref<1x40x512xf32, #tpu.memory_space<vmem>>
      %dma_start3A_69 = tpu.memref_squeeze %dma_start3A_68 : memref<1x40x512xf32, #tpu.memory_space<vmem>> -> memref<40x512xf32, #tpu.memory_space<vmem>>
      %dma_start3A_70 = arith.constant 0 : i32
      %dma_start3A_71 = tpu.memref_slice %arg4[%add3A_63, %dma_start3A_70] : memref<819200x512xf32, #tpu.memory_space<hbm>> -> memref<40x512xf32, #tpu.memory_space<hbm>>
      %dma_start3A_72 = arith.constant 0 : i32
      %dma_start3A_73 = tpu.memref_slice %arg4[%add3A_63, %dma_start3A_72] : memref<819200x512xf32, #tpu.memory_space<hbm>> -> memref<40x512xf32, #tpu.memory_space<hbm>>
      %dma_start3A_74 = arith.constant 0 : i32
      %dma_start3A_75 = arith.constant 0 : i32
      %dma_start3A_76 = tpu.memref_slice %arg6[%run_scoped3A_64, %dma_start3A_74, %dma_start3A_75] : memref<2x120x512xf32, #tpu.memory_space<vmem>> -> memref<1x40x512xf32, #tpu.memory_space<vmem>>
      %dma_start3A_77 = tpu.memref_squeeze %dma_start3A_76 : memref<1x40x512xf32, #tpu.memory_space<vmem>> -> memref<40x512xf32, #tpu.memory_space<vmem>>
      tpu.enqueue_dma source(%dma_start3A_77 : memref<40x512xf32, #tpu.memory_space<vmem>>) target(%dma_start3A_73 : memref<40x512xf32, #tpu.memory_space<hbm>>) target_semaphore(%run_scoped3A_65 : memref<!tpu.dma_semaphore, #tpu.memory_space<semaphore_mem>>)
      %dma_wait3A_78 = arith.constant 0 : i32
      %dma_wait3A_79 = arith.constant 0 : i32
      %dma_wait3A_80 = tpu.memref_slice %arg6[%run_scoped3A_64, %dma_wait3A_78, %dma_wait3A_79] : memref<2x120x512xf32, #tpu.memory_space<vmem>> -> memref<1x40x512xf32, #tpu.memory_space<vmem>>
      %dma_wait3A_81 = tpu.memref_squeeze %dma_wait3A_80 : memref<1x40x512xf32, #tpu.memory_space<vmem>> -> memref<40x512xf32, #tpu.memory_space<vmem>>
      %dma_wait3A_82 = arith.constant 0 : i32
      %dma_wait3A_83 = tpu.memref_slice %arg4[%add3A_63, %dma_wait3A_82] : memref<819200x512xf32, #tpu.memory_space<hbm>> -> memref<40x512xf32, #tpu.memory_space<hbm>>
      %dma_wait3A_84 = arith.constant 0 : i32
      %dma_wait3A_85 = tpu.memref_slice %arg4[%add3A_63, %dma_wait3A_84] : memref<819200x512xf32, #tpu.memory_space<hbm>> -> memref<40x512xf32, #tpu.memory_space<hbm>>
      %dma_wait3A_86 = arith.constant 0 : i32
      %dma_wait3A_87 = arith.constant 0 : i32
      %dma_wait3A_88 = tpu.memref_slice %arg6[%run_scoped3A_64, %dma_wait3A_86, %dma_wait3A_87] : memref<2x120x512xf32, #tpu.memory_space<vmem>> -> memref<1x40x512xf32, #tpu.memory_space<vmem>>
      %dma_wait3A_89 = tpu.memref_squeeze %dma_wait3A_88 : memref<1x40x512xf32, #tpu.memory_space<vmem>> -> memref<40x512xf32, #tpu.memory_space<vmem>>
      tpu.wait_dma2 semaphore(%run_scoped3A_65 : memref<!tpu.dma_semaphore, #tpu.memory_space<semaphore_mem>>) src(%dma_wait3A_89 : memref<40x512xf32, #tpu.memory_space<vmem>>) dst(%dma_wait3A_85 : memref<40x512xf32, #tpu.memory_space<hbm>>)
      tpu.yield
    }) : () -> ()
    return
  }
}

</mosaic_0001>

<sc_bundles>
// kernel: kernel.3.cloned.1.call-start
scs
__scs_entry_jumppad:
0x0: {  	(pc) =	sbr.rel $0x88, $3  }
0x1: {  	(tag) =	ssettag $0x0;
	lr =	simm.s32 $0x1  }
0x2: {  	[smem:$0x3F9F] =	sst lr;
	_ =	strace $0xD0000000  }
0x3: {  	_ = 	snop  }
0x4: {  	_ = 	snop  }
0x5: {  	_ = 	snop  }
0x6: {  	_ = 	snop  }
0x7: {  	_ = 	snop  }
__scs_overlays_trampoline_lowered:
0x8: {  	[smem:$0x3FAE] =	sst s0  }
0x9: {  	[smem:$0x3FAF] =	sst s1  }
0xa: {  	[smem:$0x3FB0] =	sst s2  }
0xb: {  	[smem:$0x3FB1] =	sst s3  }
0xc: {  	[smem:$0x3FB2] =	sst s4  }
0xd: {  	[smem:$0x3FB3] =	sst s5  }
0xe: {  	[smem:$0x3FB4] =	sst s6  }
0xf: {  	[smem:$0x3FB5] =	sst s7  }
0x10: {  	[smem:$0x3FB6] =	sst s8  }
0x11: {  	[smem:$0x3FB7] =	sst s9;
	s0 =	simm.s32 @!p0 $0x0  }
0x12: {  	s1 =	sld [smem:$0x3F9D];
	s0 =	simm.s32 @p0 $0x1  }
0x13: {  	[smem:$0x3FB8] =	sst s0;
	s0 =	simm.s32 @!p1 $0x0  }
0x14: {  	s2 =	sld [smem:$0x3F9C];
	s0 =	simm.s32 @p1 $0x1  }
0x15: {  	[smem:$0x3FB9] =	sst s0;
	s0 =	simm.s32 @!p2 $0x0  }
0x16: {  	s3 =	sld [smem:$0x3FDB];
	s0 =	simm.s32 @p2 $0x1  }
0x17: {  	s4 =	simm.s32 $0x1BF5;
	[smem:$0x3FBB] =	sst s0  }
0x18: {  	s0 =	sld [smem:$0x3F9E];
	_ =	swait.ge [sflag:s4], $0x0  }
0x19: {  	s7 =	sld [smem:$0x3F9F]  }
0x1a: {  	s8 =	sadd.s32 $0xFFFFE003, lr  }
0x1b: {  	s9 =	sadd.s32 $0xFFFFFEF7, lr;
	s5 =	simm.s32 $0xFFFFFFFF;
	p2 =	slt.u32 s8, $0xFFFFF086  }
0x1c: {  	p1 =	slt.u32 s9, $0xF7A;
	s5 =	simm.s32 @!p2 $0x0  }
0x1d: {  	s5 =	simm.s32 @p1 $0x1;
	p0 =	seq.s32 s7, s2  }
0x1e: {  	s7 =	smul.u32 @!p0 $0xF7A, s2;
	p2 =	seq.s32 @!p0 s5, $0x0  }
0x1f: {  	s9 =	smul.u32 $0xF7A, s1;
	s8 =	simm.s32 @!p0 $0x1BF5;
	p2 =	por !p2, p0  }
0x20: {  	[sflag:s8] =	ssyncset.s32 @!p0 $0xFFFFF086;
	s6 =	sadd.s32 @!p0 s3, s7;
	s7 =	simm.s32 @!p0 $0x108  }
0x21: {  	s3 =	sadd.s32 s3, s9;
	s6 =	sadd.s32 @!p0 $0x88, s6;
	s7 =	simm.s32 @p2 $0x1082  }
0x22: {  	[simem:s7], [sflag:s8] =	dma.local @!p0 [hbm:s6], $0xF7A  }
0x23: {  	s9 =	sor.u32 $0xD0000000, s2;
	s6 =	simm.s32 $0x108;
	_ =	swait.ge @!p0 [sflag:s8], $0x0  }
0x24: {  	s3 =	sadd.s32 $0x88, s3;
	s6 =	simm.s32 @!p1 $0x1082;
	[sflag:s4] =	ssyncset.s32 $0xFFFFF086  }
0x25: {  	[simem:s6], [sflag:s4] =	dma.local [hbm:s3], $0xF7A  }
0x26: {  	[smem:$0x3F9F] =	sst s1;
	(tag) =	ssettag s2;
	_ =	strace s9  }
0x27: {  	s1 =	sld [smem:$0x3FAF]  }
0x28: {  	s2 =	sld [smem:$0x3FB0]  }
0x29: {  	s4 =	sld [smem:$0x3FB2]  }
0x2a: {  	p0 =	seq.s32 s5, $0x0;
	s5 =	sld [smem:$0x3FB3]  }
0x2b: {  	s6 =	sld [smem:$0x3FB4]  }
0x2c: {  	s7 =	sld [smem:$0x3FB5]  }
0x2d: {  	s3 =	simm.s32 $0x108;
	s8 =	sld [smem:$0x3FB6]  }
0x2e: {  	s3 =	simm.s32 @!p0 $0x1082;
	s9 =	sld [smem:$0x3FB7]  }
0x2f: {  	lr =	sadd.s32 s0, s3;
	s0 =	sld [smem:$0x3FAE]  }
0x30: {  	s3 =	sld [smem:$0x3FB1]  }
0x31: {  	[smem:$0x3FBA] =	sst s10  }
0x32: {  	s10 =	sld [smem:$0x3FB8];
	_ =	sdelay $0x3  }
0x33: {  	p0 =	seq.s32 s10, $0x1;
	s10 =	sld [smem:$0x3FBA];
	_ =	sdelay $0x3  }
0x34: {  	[smem:$0x3FBA] =	sst s10  }
0x35: {  	s10 =	sld [smem:$0x3FB9];
	_ =	sdelay $0x3  }
0x36: {  	p1 =	seq.s32 s10, $0x1;
	s10 =	sld [smem:$0x3FBA];
	_ =	sdelay $0x3  }
0x37: {  	[smem:$0x3FBA] =	sst s10  }
0x38: {  	s10 =	sld [smem:$0x3FBB]  }
0x39: {  	_ = 	snop;
	(pc) =	sbr.ind lr, $3  }
0x3a: {  	_ = 	snop  }
0x3b: {  	_ = 	snop  }
0x3c: {  	p2 =	seq.s32 s10, $0x1;
	s10 =	sld [smem:$0x3FBA]  }
0x3d: {  	_ =	shalt  }
0x3e: {  	_ =	shalt  }
0x3f: {  	_ =	shalt  }
0x40: {  	_ =	shalt  }
0x41: {  	_ =	shalt  }
0x42: {  	_ =	shalt  }
0x43: {  	_ =	shalt  }
0x44: {  	_ =	shalt  }
0x45: {  	_ =	shalt  }
0x46: {  	_ =	shalt  }
0x47: {  	_ =	shalt  }
0x48: {  	_ =	shalt  }
0x49: {  	_ =	shalt  }
0x4a: {  	_ =	shalt  }
0x4b: {  	_ =	shalt  }
0x4c: {  	_ =	shalt  }
0x4d: {  	_ =	shalt  }
0x4e: {  	_ =	shalt  }
0x4f: {  	_ =	shalt  }
0x50: {  	_ =	shalt  }
0x51: {  	_ =	shalt  }
0x52: {  	_ =	shalt  }
0x53: {  	_ =	shalt  }
0x54: {  	_ =	shalt  }
0x55: {  	_ =	shalt  }
0x56: {  	_ =	shalt  }
0x57: {  	_ =	shalt  }
0x58: {  	_ =	shalt  }
0x59: {  	_ =	shalt  }
0x5a: {  	_ =	shalt  }
0x5b: {  	_ =	shalt  }
0x5c: {  	_ =	shalt  }
0x5d: {  	_ =	shalt  }
0x5e: {  	_ =	shalt  }
0x5f: {  	_ =	shalt  }
0x60: {  	_ =	shalt  }
0x61: {  	_ =	shalt  }
0x62: {  	_ =	shalt  }
0x63: {  	_ =	shalt  }
0x64: {  	_ =	shalt  }
0x65: {  	_ =	shalt  }
0x66: {  	_ =	shalt  }
0x67: {  	_ =	shalt  }
0x68: {  	_ =	shalt  }
0x69: {  	_ =	shalt  }
0x6a: {  	_ =	shalt  }
0x6b: {  	_ =	shalt  }
0x6c: {  	_ =	shalt  }
0x6d: {  	_ =	shalt  }
0x6e: {  	_ =	shalt  }
0x6f: {  	_ =	shalt  }
0x70: {  	_ =	shalt  }
0x71: {  	_ =	shalt  }
0x72: {  	_ =	shalt  }
0x73: {  	_ =	shalt  }
0x74: {  	_ =	shalt  }
0x75: {  	_ =	shalt  }
0x76: {  	_ =	shalt  }
0x77: {  	_ =	shalt  }
0x78: {  	_ =	shalt  }
0x79: {  	_ =	shalt  }
0x7a: {  	_ =	shalt  }
0x7b: {  	_ =	shalt  }
0x7c: {  	_ =	shalt  }
0x7d: {  	_ =	shalt  }
0x7e: {  	_ =	shalt  }
0x7f: {  	_ =	shalt  }
0x80: {  	_ =	shalt  }
0x81: {  	_ =	shalt  }
0x82: {  	_ =	shalt  }
0x83: {  	_ =	shalt  }
0x84: {  	_ =	shalt  }
0x85: {  	_ =	shalt  }
0x86: {  	_ =	shalt  }
0x87: {  	_ =	shalt  }
.Lfunc_end0:
.L_simem_size_0:
called_computation_lowered:
.L_overlay_start_0:
0x88: {  	s2 =	sld [smem:$0x3FD9]  }
0x89: {  	s3 =	sld [smem:$0x3FFE];
	_ =	sdelay $0x1  }
0x8a: {  	s1 =	srdreg.scid  }
0x8b: {  	s0 =	sand.u32 $0x1, s1  }
0x8c: {  	s17 =	sshll.u32 s0, $0xA;
	s2 =	sadd.s32 s3, s2  }
0x8d: {  	s2 =	sadd.s32 s2, s17  }
0x8e: {  	[smem:$0x3FC6] =	sst s2  }
0x8f: {  	_ = 	snop  }
0x90: {  	s2 =	sld [smem:$0x3FC8]  }
0x91: {  	s18 =	sld [smem:$0x3FD0];
	(tm) =	ssettm $0x1  }
0x92: {  	s4 =	sld [smem:$0x3FFB];
	_ =	sdelay $0x3  }
0x93: {  	_ =	strace s4  }
0x94: {  	s4 =	sld [smem:$0x3FFC];
	_ =	sdelay $0x3  }
0x95: {  	_ =	strace s4  }
0x96: {  	s4 =	sld [smem:$0x3FFD];
	_ =	sdelay $0x3  }
0x97: {  	_ =	strace s4  }
0x98: {  	_ =	strace $0x8FFFFFFF  }
0x99: {  	s19 =	sld [smem:$0x3FDB];
	_ =	sdelay $0x1  }
0x9a: {  	s5 =	simm.s32 $_scs_section_size  }
0x9b: {  	s6 =	simm.s32 $_size__tile_overlayer_lowered;
	s7 =	simm.s32 $_tile_overlayer_lowered  }
0x9c: {  	s22 =	simm.s32 $0x1BFF;
	s21 =	sshll.u32 s7, $0x1;
	s4 =	sadd.s32 s5, s19  }
0x9d: {  	s8 =	simm.s32 $0x0;
	s20 =	sshll.u32 s6, $0x1;
	s6 =	sadd.s32 s21, s4  }
0x9e: {  	[timem:s8], [sflag:s22] =	dma.local [hbm:s6], s20  }
0x9f: {  	_ =	swait.ge [sflag:s22], s20  }
0xa0: {  	s5 =	ssub.s32 $0x0, s20;
	[sflag:s22] =	ssyncset.done $0x0  }
0xa1: {  	[sflag:s22] =	ssyncadd.s32 s5;
	_ =	sdelay $0x1  }
0xa2: {  	s23 =	simm.s32 $0x1B8B  }
0xa3: {  	_ =	swait.ge [sflag:s23], $0x1  }
0xa4: {  	[sflag:s23] =	ssyncset.done $0x0  }
0xa5: {  	s25 =	simm.s32 $0x1B8E;
	s24 =	sld [smem:$0x3FFE];
	[sflag:s23] =	ssyncadd.s32 $0xFFFFFFFF  }
0xa6: {  	s26 =	simm.s32 $execute0_lowered;
	[smem:$0x3FD2] =	sst s25  }
0xa7: {  	s6 =	sshll.u32 s26, $0x1;
	_ =	strace $0x80000046;
	[dreg:$0x1] =	wrdreg $0xFFFFFFFF  }
0xa8: {  	s28 =	simm.s32 $_size_execute0_lowered;
	s4 =	sadd.s32 s4, s6;
	[dreg:$0x0] =	wrdreg $0x0  }
0xa9: {  	s6 =	sshll.u32 s28, $0x1;
	[dreg:$0x2] =	wrdreg s4  }
0xaa: {  	[dreg:$0x3] =	wrdreg s6  }
0xab: {  	[dreg:$0x4] =	wrdreg $0xC0  }
0xac: {  	_ =	task [dreg:s8], $0x5FFFF  }
0xad: {  	[dreg:$0x1] =	wrdreg $0xFFFFFFFF  }
0xae: {  	[dreg:$0x0] =	wrdreg $0x60  }
0xaf: {  	[dreg:$0x2] =	wrdreg s2  }
0xb0: {  	[dreg:$0x3] =	wrdreg s24  }
0xb1: {  	[dreg:$0x4] =	wrdreg s18  }
0xb2: {  	[dreg:$0x5] =	wrdreg $0x9  }
0xb3: {  	_ =	task.clear_ibuf [dreg:s8], $0x6FFFF;
	_ =	strace $0x90000046  }
0xb4: {  	s29 =	simm.s32 $0x9;
	_ =	strace $0x80000048  }
0xb5: {  	_ =	swait.ge [sflag:s29], $0x1  }
0xb6: {  	[sflag:s29] =	ssyncadd.s32 $0xFFFFFFFF  }
0xb7: {  	_ =	strace $0x90000048  }
0xb8: {  	_ =	sfence  }
0xb9: {  	s30 =	sld [smem:$0x0];
	_ =	sdelay $0x2  }
0xba: {  	s31 =	sshll.u32 s1, $0xD;
	s1 =	sshrl.u32 s1, $0x2  }
0xbb: {  	s3 =	sand.u32 $0x4000, s31;
	s1 =	sadd.s32 s1, s30  }
0xbc: {  	s0 =	sor.u32 s3, s0;
	s1 =	sshll.u32 s1, $0x11  }
0xbd: {  	s0 =	sor.u32 s1, s0  }
0xbe: {  	s0 =	sadd.s32 $0x8F2B, s0  }
0xbf: {  	[sflag:s0] =	ssyncadd.remote.s32 $0x1  }
0xc0: {  	_ =	sfence.sel $0xFFFF  }
0xc1: {  	[dreg:$0x0] =	wrdreg $0xFFFFFFFF;
	(pc) =	sbr.abs _section_cstart, $3  }
0xc2: {  	[dreg:$0x1] =	wrdreg $0xFFFFFFFF  }
0xc3: {  	_ =	task.clear_ibuf [dreg:s8], $0x2FFFF;
	_ =	strace $0x9FFFFFFF  }
0xc4: {  	(tm) =	ssettm $0x7FFFFFFF  }
0xc5: {  	_ =	shalt  }
tec
execute0_lowered:
.L_overlay_start_1:
0x0: {  	(tag) =	ssettag $0x1  }
0x1: {  	s1 =	rddreg [dreg:$0x0]  }
0x2: {  	s0 =	rddreg [dreg:$0x1]  }
0x3: {  	s2 =	rddreg [dreg:$0x2]  }
0x4: {  	s4 =	srdreg.scid;
	s12 =	stileid.u32;
	s3 =	simm.s32 $0x0  }
0x5: {  	s26 =	simm.s32 $0x14100;
	s13 =	simm.s32 $0x17100;
	s14 =	simm.s32 $0x17900  }
0x6: {  	s15 =	simm.s32 $0x18100;
	s16 =	simm.s32 $0x18900;
	[smem:$0x7FF] =	sst s3  }
0x7: {  	s17 =	simm.s32 $0x19100;
	_ =	strace $0x80000047;
	[dreg:$0x6] =	wrdreg s26  }
0x8: {  	s18 =	simm.s32 $0x19900;
	s19 =	simm.s32 $0x1A100;
	[dreg:$0xc] =	wrdreg s13  }
0x9: {  	s20 =	simm.s32 $0x1A900;
	s30 =	simm.s32 $0xA900;
	[dreg:$0xd] =	wrdreg s14  }
0xa: {  	s31 =	simm.s32 $0xB100;
	s28 =	simm.s32 $0x1;
	[dreg:$0xe] =	wrdreg s15  }
0xb: {  	s29 =	simm.s32 $0x2;
	s4 =	sand.u32 $0x1, s4;
	[dreg:$0xf] =	wrdreg s16  }
0xc: {  	s5 =	sshll.u32 s12, $0x1;
	s0 =	sadd.s32 $0x400, s0;
	[dreg:$0x10] =	wrdreg s17  }
0xd: {  	s9 =	smul.u32 $0xC800, s12;
	s5 =	sor.u32 s4, s5;
	[dreg:$0x11] =	wrdreg s18  }
0xe: {  	s6 =	ssub.s32 $0x2, s4;
	s10 =	smul.u32 $0x6400, s4;
	[dreg:$0x12] =	wrdreg s19  }
0xf: {  	s4 =	smul.u32 $0x190000, s4;
	[dreg:$0x13] =	wrdreg s20;
	s13 =	simm.s32 $0x4100  }
0x10: {  	s14 =	simm.s32 $0x4900;
	s15 =	simm.s32 $0x5100;
	s16 =	simm.s32 $0x5900  }
0x11: {  	s26 =	simm.s32 $0x1D900;
	s18 =	simm.s32 $0x6100;
	s19 =	simm.s32 $0x6900  }
0x12: {  	s20 =	simm.s32 $0x7100;
	s17 =	simm.s32 $0xF100;
	s7 =	smul.u32 $0x6400, s5  }
0x13: {  	s8 =	sshrl.u32 s6, $0x1;
	s22 =	smul.u32 $0xC80000, s5;
	s5 =	sadd.s32 $0x100, s1  }
0x14: {  	[dreg:$0x19] =	wrdreg s26;
	s26 =	simm.s32 $0xA100;
	s6 =	ssub.s32 s6, s8  }
0x15: {  	s9 =	sadd.s32 s10, s9;
	s21 =	sshrl.u32 s7, $0x3;
	s7 =	sadd.s32 $0x63D8, s7  }
0x16: {  	s24 =	sor.u32 $0xF0, s9;
	s9 =	sor.u32 $0x78, s9;
	s6 =	smax.u32 s6, $0x1  }
0x17: {  	s8 =	sadd.s32 s0, s21;
	s11 =	sshrl.u32 s7, $0x3;
	[dreg:$0x1e] =	wrdreg s6  }
0x18: {  	s10 =	sshrl.u32 s24, $0x3;
	s21 =	simm.s32 $0x1B100;
	[dreg:$0x1a] =	wrdreg s8  }
0x19: {  	s9 =	sshrl.u32 s9, $0x3;
	s24 =	simm.s32 $0x1C900;
	[dreg:$0x14] =	wrdreg s21  }
0x1a: {  	s7 =	sshll.u32 s7, $0x6;
	s23 =	sadd.s32 s0, s11;
	[dreg:$0x17] =	wrdreg s24  }
0x1b: {  	s6 =	simm.s32 $0x1900;
	s25 =	sadd.s32 s10, s0;
	[dreg:$0x1b] =	wrdreg s23  }
0x1c: {  	s8 =	sshrl.u32 s22, $0x3;
	s7 =	sadd.s32 s2, s7;
	[dreg:$0x4] =	wrdreg s25  }
0x1d: {  	s0 =	sadd.s32 s9, s0;
	s9 =	simm.s32 $0x15100;
	[dreg:$0x1d] =	wrdreg s7  }
0x1e: {  	s10 =	simm.s32 $0x15900;
	s11 =	simm.s32 $0x16100;
	[dreg:$0x5] =	wrdreg s0  }
0x1f: {  	s22 =	simm.s32 $0x1B900;
	s21 =	simm.s32 $0x7900;
	[dreg:$0x8] =	wrdreg s9  }
0x20: {  	s24 =	simm.s32 $0x9100;
	s8 =	sadd.s32 s2, s8;
	[dreg:$0x9] =	wrdreg s10  }
0x21: {  	s7 =	simm.s32 $0x14900;
	[dreg:$0xa] =	wrdreg s11;
	s11 =	simm.s32 $0x3  }
0x22: {  	s9 =	simm.s32 $0x3100;
	s10 =	simm.s32 $0x3900;
	[dreg:$0x15] =	wrdreg s22  }
0x23: {  	s23 =	simm.s32 $0x1C100;
	s25 =	simm.s32 $0x1D100;
	[dreg:$0x7] =	wrdreg s7  }
0x24: {  	s22 =	simm.s32 $0x8100;
	s8 =	sadd.s32 $0x18D800, s8;
	[dreg:$0x16] =	wrdreg s23  }
0x25: {  	s0 =	simm.s32 $0x0;
	[dreg:$0x1c] =	wrdreg s8;
	s8 =	smul.u32 $0x320000, s12  }
0x26: {  	s7 =	simm.s32 $0x2100;
	[dreg:$0x18] =	wrdreg s25;
	s23 =	simm.s32 $0x8900  }
0x27: {  	[smem:$0x7FD] =	sst s0;
	s12 =	simm.s32 $0x16900;
	s2 =	sadd.s32 s8, s2  }
0x28: {  	v2 =	vlaneseq.u32;
	s25 =	simm.s32 $0x9900;
	[dreg:$0xb] =	wrdreg s12;
	s2 =	sadd.s32 s4, s2  }
0x29: {  	vm0 =	vmmov $0xffff;
	v1 =	vshrl.u32 v2, $0x3;
	s12 =	simm.s32 $0x100;
	s8 =	simm.s32 $0x2900;
	s2 =	sadd.s32 $0x1E00, s2  }
0x2a: {  	v0 =	vand.u32 $0x7, v2;
	v2 =	vor.u32 $0x8, v2;
	v1 =	vmul.u32 $0x8, v1;
	s4 =	simm.s32 $0x1100;
	[dreg:$0x1f] =	wrdreg s2;
	s2 =	simm.s32 $0x900  }
.LBB2_1:
0x2b: {  	s0 =	rddreg [dreg:$0x1a]  }
0x2c: {  	[tilespmem:s3], [sflag:$0x3] =	stream.linear.gather [hbm4b:s0+s3], $0x78, $0x38;
	[tilespmem:$0x1E100] =	vst v63  }
0x2d: {  	_ =	swait.ge [sflag:s11], $0x78  }
0x2e: {  	[sflag:s11] =	ssyncset.done $0x0  }
0x2f: {  	[sflag:s11] =	ssyncadd.s32 $0xFFFFFF88  }
0x30: {  	v3 =	vld [tilespmem:$0x0];
	_ =	sdelay $0x4  }
0x31: {  	v4 =	vshll.u32 v3, $0x2  }
0x32: {  	v3 =	vand.u32 $0x7, v3;
	v4 =	vand.u32 $0xFFFFFFE0, v4  }
0x33: {  	v3 =	vor.u32 v3, v4  }
0x34: {  	v4 =	vperm.xlane v3, v0;
	_ =	sdelay $0x1  }
0x35: {  	v4 =	vadd.s32 v1, v4;
	_ =	sdelay $0x1  }
0x36: {  	v3 =	vperm.xlane v3, v2;
	_ =	sdelay $0x1  }
0x37: {  	v3 =	vadd.s32 v1, v3  }
0x38: {  	[tilespmem:s12], [sflag:$0x1] =	stream.indirect_vreg.gather [hbm4b:s1+s3], $0x80, v4, vm0, $0xb8;
	[tilespmem:$0x1E100] =	vst v63  }
0x39: {  	_ = 	snop  }
0x3a: {  	[tilespmem:s2], [sflag:$0x1] =	stream.indirect_vreg.gather [hbm4b:s5+s3], $0x80, v4, vm0, $0xb8;
	[tilespmem:$0x1E100] =	vst v63  }
0x3b: {  	_ = 	snop  }
0x3c: {  	[tilespmem:s4], [sflag:$0x1] =	stream.indirect_vreg.gather [hbm4b:s1+s3], $0x80, v3, vm0, $0xb8;
	[tilespmem:$0x1E100] =	vst v63  }
0x3d: {  	_ = 	snop  }
0x3e: {  	[tilespmem:s6], [sflag:$0x1] =	stream.indirect_vreg.gather [hbm4b:s5+s3], $0x80, v3, vm0, $0xb8;
	[tilespmem:$0x1E100] =	vst v63  }
0x3f: {  	v3 =	vld [tilespmem:$0x10];
	_ =	sdelay $0x4  }
0x40: {  	v57 =	vshll.u32 v3, $0x2  }
0x41: {  	v3 =	vand.u32 $0x7, v3;
	v4 =	vand.u32 $0xFFFFFFE0, v57  }
0x42: {  	v3 =	vor.u32 v3, v4  }
0x43: {  	v4 =	vperm.xlane v3, v0;
	_ =	sdelay $0x1  }
0x44: {  	v4 =	vadd.s32 v1, v4;
	_ =	sdelay $0x1  }
0x45: {  	v3 =	vperm.xlane v3, v2;
	_ =	sdelay $0x1  }
0x46: {  	v3 =	vadd.s32 v1, v3  }
0x47: {  	[tilespmem:s7], [sflag:$0x1] =	stream.indirect_vreg.gather [hbm4b:s1+s3], $0x80, v4, vm0, $0xb8;
	[tilespmem:$0x1E100] =	vst v63  }
0x48: {  	_ = 	snop  }
0x49: {  	[tilespmem:s8], [sflag:$0x1] =	stream.indirect_vreg.gather [hbm4b:s5+s3], $0x80, v4, vm0, $0xb8;
	[tilespmem:$0x1E100] =	vst v63  }
0x4a: {  	_ = 	snop  }
0x4b: {  	[tilespmem:s9], [sflag:$0x1] =	stream.indirect_vreg.gather [hbm4b:s1+s3], $0x80, v3, vm0, $0xb8;
	[tilespmem:$0x1E100] =	vst v63  }
0x4c: {  	_ = 	snop  }
0x4d: {  	[tilespmem:s10], [sflag:$0x1] =	stream.indirect_vreg.gather [hbm4b:s5+s3], $0x80, v3, vm0, $0xb8;
	[tilespmem:$0x1E100] =	vst v63  }
0x4e: {  	v3 =	vld [tilespmem:$0x20];
	_ =	sdelay $0x4  }
0x4f: {  	v58 =	vshll.u32 v3, $0x2  }
0x50: {  	v3 =	vand.u32 $0x7, v3;
	v4 =	vand.u32 $0xFFFFFFE0, v58  }
0x51: {  	v3 =	vor.u32 v3, v4  }
0x52: {  	v4 =	vperm.xlane v3, v0;
	_ =	sdelay $0x1  }
0x53: {  	v4 =	vadd.s32 v1, v4;
	_ =	sdelay $0x1  }
0x54: {  	v3 =	vperm.xlane v3, v2;
	_ =	sdelay $0x1  }
0x55: {  	v3 =	vadd.s32 v1, v3  }
0x56: {  	[tilespmem:s13], [sflag:$0x1] =	stream.indirect_vreg.gather [hbm4b:s1+s3], $0x80, v4, vm0, $0xb8;
	[tilespmem:$0x1E100] =	vst v63  }
0x57: {  	_ = 	snop  }
0x58: {  	[tilespmem:s14], [sflag:$0x1] =	stream.indirect_vreg.gather [hbm4b:s5+s3], $0x80, v4, vm0, $0xb8;
	[tilespmem:$0x1E100] =	vst v63  }
0x59: {  	_ = 	snop  }
0x5a: {  	[tilespmem:s15], [sflag:$0x1] =	stream.indirect_vreg.gather [hbm4b:s1+s3], $0x80, v3, vm0, $0xb8;
	[tilespmem:$0x1E100] =	vst v63  }
0x5b: {  	_ = 	snop  }
0x5c: {  	[tilespmem:s16], [sflag:$0x1] =	stream.indirect_vreg.gather [hbm4b:s5+s3], $0x80, v3, vm0, $0xb8;
	[tilespmem:$0x1E100] =	vst v63  }
0x5d: {  	v3 =	vld [tilespmem:$0x30];
	_ =	sdelay $0x4  }
0x5e: {  	v59 =	vshll.u32 v3, $0x2  }
0x5f: {  	v3 =	vand.u32 $0x7, v3;
	v4 =	vand.u32 $0xFFFFFFE0, v59  }
0x60: {  	v3 =	vor.u32 v3, v4  }
0x61: {  	v4 =	vperm.xlane v3, v0;
	_ =	sdelay $0x1  }
0x62: {  	v4 =	vadd.s32 v1, v4;
	_ =	sdelay $0x1  }
0x63: {  	v3 =	vperm.xlane v3, v2;
	_ =	sdelay $0x1  }
0x64: {  	v3 =	vadd.s32 v1, v3  }
0x65: {  	[tilespmem:s18], [sflag:$0x1] =	stream.indirect_vreg.gather [hbm4b:s1+s3], $0x80, v4, vm0, $0xb8;
	[tilespmem:$0x1E100] =	vst v63  }
0x66: {  	_ = 	snop  }
0x67: {  	[tilespmem:s19], [sflag:$0x1] =	stream.indirect_vreg.gather [hbm4b:s5+s3], $0x80, v4, vm0, $0xb8;
	[tilespmem:$0x1E100] =	vst v63  }
0x68: {  	_ = 	snop  }
0x69: {  	[tilespmem:s20], [sflag:$0x1] =	stream.indirect_vreg.gather [hbm4b:s1+s3], $0x80, v3, vm0, $0xb8;
	[tilespmem:$0x1E100] =	vst v63  }
0x6a: {  	_ = 	snop  }
0x6b: {  	[tilespmem:s21], [sflag:$0x1] =	stream.indirect_vreg.gather [hbm4b:s5+s3], $0x80, v3, vm0, $0xb8;
	[tilespmem:$0x1E100] =	vst v63  }
0x6c: {  	v3 =	vld [tilespmem:$0x40];
	_ =	sdelay $0x4  }
0x6d: {  	v60 =	vshll.u32 v3, $0x2  }
0x6e: {  	v3 =	vand.u32 $0x7, v3;
	v4 =	vand.u32 $0xFFFFFFE0, v60  }
0x6f: {  	v3 =	vor.u32 v3, v4  }
0x70: {  	v4 =	vperm.xlane v3, v0;
	_ =	sdelay $0x1  }
0x71: {  	v4 =	vadd.s32 v1, v4;
	_ =	sdelay $0x1  }
0x72: {  	v3 =	vperm.xlane v3, v2;
	_ =	sdelay $0x1  }
0x73: {  	v3 =	vadd.s32 v1, v3  }
0x74: {  	[tilespmem:s22], [sflag:$0x1] =	stream.indirect_vreg.gather [hbm4b:s1+s3], $0x80, v4, vm0, $0xb8;
	[tilespmem:$0x1E100] =	vst v63  }
0x75: {  	_ = 	snop  }
0x76: {  	[tilespmem:s23], [sflag:$0x1] =	stream.indirect_vreg.gather [hbm4b:s5+s3], $0x80, v4, vm0, $0xb8;
	[tilespmem:$0x1E100] =	vst v63  }
0x77: {  	_ = 	snop  }
0x78: {  	[tilespmem:s24], [sflag:$0x1] =	stream.indirect_vreg.gather [hbm4b:s1+s3], $0x80, v3, vm0, $0xb8;
	[tilespmem:$0x1E100] =	vst v63  }
0x79: {  	_ = 	snop  }
0x7a: {  	[tilespmem:s25], [sflag:$0x1] =	stream.indirect_vreg.gather [hbm4b:s5+s3], $0x80, v3, vm0, $0xb8;
	[tilespmem:$0x1E100] =	vst v63  }
0x7b: {  	v3 =	vld [tilespmem:$0x50];
	_ =	sdelay $0x4  }
0x7c: {  	v61 =	vshll.u32 v3, $0x2  }
0x7d: {  	v3 =	vand.u32 $0x7, v3;
	v4 =	vand.u32 $0xFFFFFFE0, v61  }
0x7e: {  	v3 =	vor.u32 v3, v4  }
0x7f: {  	v4 =	vperm.xlane v3, v0;
	_ =	sdelay $0x1  }
0x80: {  	v4 =	vadd.s32 v1, v4;
	_ =	sdelay $0x1  }
0x81: {  	v3 =	vperm.xlane v3, v2;
	_ =	sdelay $0x1  }
0x82: {  	v3 =	vadd.s32 v1, v3  }
0x83: {  	[tilespmem:s26], [sflag:$0x1] =	stream.indirect_vreg.gather [hbm4b:s1+s3], $0x80, v4, vm0, $0xb8;
	[tilespmem:$0x1E100] =	vst v63  }
0x84: {  	_ = 	snop  }
0x85: {  	[tilespmem:s30], [sflag:$0x1] =	stream.indirect_vreg.gather [hbm4b:s5+s3], $0x80, v4, vm0, $0xb8;
	[tilespmem:$0x1E100] =	vst v63  }
0x86: {  	_ = 	snop  }
0x87: {  	[tilespmem:s31], [sflag:$0x1] =	stream.indirect_vreg.gather [hbm4b:s1+s3], $0x80, v3, vm0, $0xb8;
	[tilespmem:$0x1E100] =	vst v63  }
0x88: {  	s22 =	simm.s32 $0xB900  }
0x89: {  	[tilespmem:s22], [sflag:$0x1] =	stream.indirect_vreg.gather [hbm4b:s5+s3], $0x80, v3, vm0, $0xb8;
	[tilespmem:$0x1E100] =	vst v63  }
0x8a: {  	v3 =	vld [tilespmem:$0x60];
	_ =	sdelay $0x4  }
0x8b: {  	v62 =	vshll.u32 v3, $0x2  }
0x8c: {  	v3 =	vand.u32 $0x7, v3;
	v4 =	vand.u32 $0xFFFFFFE0, v62  }
0x8d: {  	v3 =	vor.u32 v3, v4  }
0x8e: {  	v4 =	vperm.xlane v3, v0;
	_ =	sdelay $0x1  }
0x8f: {  	v4 =	vadd.s32 v1, v4;
	_ =	sdelay $0x1  }
0x90: {  	v3 =	vperm.xlane v3, v2;
	_ =	sdelay $0x1  }
0x91: {  	s23 =	simm.s32 $0xC100;
	v3 =	vadd.s32 v1, v3  }
0x92: {  	[tilespmem:s23], [sflag:$0x1] =	stream.indirect_vreg.gather [hbm4b:s1+s3], $0x80, v4, vm0, $0xb8;
	[tilespmem:$0x1E100] =	vst v63  }
0x93: {  	s24 =	simm.s32 $0xC900  }
0x94: {  	[tilespmem:s24], [sflag:$0x1] =	stream.indirect_vreg.gather [hbm4b:s5+s3], $0x80, v4, vm0, $0xb8;
	[tilespmem:$0x1E100] =	vst v63  }
0x95: {  	s25 =	simm.s32 $0xD100  }
0x96: {  	[tilespmem:s25], [sflag:$0x1] =	stream.indirect_vreg.gather [hbm4b:s1+s3], $0x80, v3, vm0, $0xb8;
	[tilespmem:$0x1E100] =	vst v63  }
0x97: {  	s26 =	simm.s32 $0xD900  }
0x98: {  	[tilespmem:s26], [sflag:$0x1] =	stream.indirect_vreg.gather [hbm4b:s5+s3], $0x80, v3, vm0, $0xb8;
	[tilespmem:$0x1E100] =	vst v63  }
0x99: {  	v3 =	vld.msk [tilespmem:$0x70], $0xff;
	_ =	sdelay $0x4  }
0x9a: {  	v63 =	vshll.u32 v3, $0x2  }
0x9b: {  	v3 =	vand.u32 $0x7, v3;
	v4 =	vand.u32 $0xFFFFFFE0, v63  }
0x9c: {  	v3 =	vor.u32 v3, v4  }
0x9d: {  	v3 =	vperm.xlane v3, v0  }
0x9e: {  	s4 =	simm.s32 $0xA900;
	s6 =	simm.s32 $0xB100;
	s7 =	simm.s32 $0xE100  }
0x9f: {  	s8 =	simm.s32 $0xE900;
	s9 =	simm.s32 $0x80;
	s10 =	simm.s32 $0xF900;
	v3 =	vadd.s32 v1, v3  }
0xa0: {  	s13 =	simm.s32 $0x4100;
	s14 =	simm.s32 $0x4900;
	s15 =	simm.s32 $0x5100  }
0xa1: {  	s16 =	simm.s32 $0x5900;
	s18 =	simm.s32 $0x6100;
	s19 =	simm.s32 $0x6900  }
0xa2: {  	s20 =	simm.s32 $0x7100;
	s21 =	simm.s32 $0x7900;
	s30 =	rddreg [dreg:$0x1f]  }
0xa3: {  	s31 =	simm.s32 $0x0;
	s22 =	simm.s32 $0x8100;
	s23 =	simm.s32 $0x8900  }
0xa4: {  	[tilespmem:s7], [sflag:$0x1] =	stream.indirect_vreg.gather [hbm4b:s1+s3], $0x80, v3, vm0, $0xb8;
	[tilespmem:$0x1E100] =	vst v63  }
0xa5: {  	s24 =	simm.s32 $0x9100;
	s25 =	simm.s32 $0x9900;
	s26 =	simm.s32 $0xA100  }
0xa6: {  	[tilespmem:s8], [sflag:$0x1] =	stream.indirect_vreg.gather [hbm4b:s5+s3], $0x80, v3, vm0, $0xb8;
	[tilespmem:$0x1E100] =	vst v63  }
.LBB2_2:
0xa7: {  	s0 =	rddreg [dreg:$0x5]  }
0xa8: {  	s0 =	sadd.s32 s31, s0  }
0xa9: {  	[tilespmem:s9], [sflag:$0x3] =	stream.linear.gather [hbm4b:s0+s3], $0x78, $0x38;
	[tilespmem:$0x1E100] =	vst v63  }
0xaa: {  	_ =	swait.ge [sflag:s11], $0x78  }
0xab: {  	[sflag:s11] =	ssyncset.done $0x0  }
0xac: {  	[sflag:s11] =	ssyncadd.s32 $0xFFFFFF88  }
0xad: {  	v3 =	vld [tilespmem:$0x80];
	_ =	sdelay $0x4  }
0xae: {  	v4 =	vshll.u32 v3, $0x2  }
0xaf: {  	v3 =	vand.u32 $0x7, v3;
	v4 =	vand.u32 $0xFFFFFFE0, v4  }
0xb0: {  	v3 =	vor.u32 v3, v4  }
0xb1: {  	v4 =	vperm.xlane v3, v0;
	_ =	sdelay $0x1  }
0xb2: {  	v4 =	vadd.s32 v1, v4;
	_ =	sdelay $0x1  }
0xb3: {  	v3 =	vperm.xlane v3, v2;
	_ =	sdelay $0x1  }
0xb4: {  	v3 =	vadd.s32 v1, v3  }
0xb5: {  	[tilespmem:s17], [sflag:$0x2] =	stream.indirect_vreg.gather [hbm4b:s1+s3], $0x80, v4, vm0, $0xb8;
	[tilespmem:$0x1E100] =	vst v63  }
0xb6: {  	_ = 	snop  }
0xb7: {  	[tilespmem:s10], [sflag:$0x2] =	stream.indirect_vreg.gather [hbm4b:s5+s3], $0x80, v4, vm0, $0xb8;
	[tilespmem:$0x1E100] =	vst v63  }
0xb8: {  	s2 =	simm.s32 $0x10100  }
0xb9: {  	[tilespmem:s2], [sflag:$0x2] =	stream.indirect_vreg.gather [hbm4b:s1+s3], $0x80, v3, vm0, $0xb8;
	[tilespmem:$0x1E100] =	vst v63  }
0xba: {  	s2 =	simm.s32 $0x10900  }
0xbb: {  	[tilespmem:s2], [sflag:$0x2] =	stream.indirect_vreg.gather [hbm4b:s5+s3], $0x80, v3, vm0, $0xb8;
	[tilespmem:$0x1E100] =	vst v63  }
0xbc: {  	v3 =	vld [tilespmem:$0x90];
	_ =	sdelay $0x4  }
0xbd: {  	v49 =	vshll.u32 v3, $0x2  }
0xbe: {  	v3 =	vand.u32 $0x7, v3;
	v4 =	vand.u32 $0xFFFFFFE0, v49  }
0xbf: {  	v3 =	vor.u32 v3, v4  }
0xc0: {  	v4 =	vperm.xlane v3, v0;
	_ =	sdelay $0x1  }
0xc1: {  	v4 =	vadd.s32 v1, v4;
	_ =	sdelay $0x1  }
0xc2: {  	v3 =	vperm.xlane v3, v2;
	_ =	sdelay $0x1  }
0xc3: {  	s2 =	simm.s32 $0x11100;
	v3 =	vadd.s32 v1, v3  }
0xc4: {  	[tilespmem:s2], [sflag:$0x2] =	stream.indirect_vreg.gather [hbm4b:s1+s3], $0x80, v4, vm0, $0xb8;
	[tilespmem:$0x1E100] =	vst v63  }
0xc5: {  	s2 =	simm.s32 $0x11900  }
0xc6: {  	[tilespmem:s2], [sflag:$0x2] =	stream.indirect_vreg.gather [hbm4b:s5+s3], $0x80, v4, vm0, $0xb8;
	[tilespmem:$0x1E100] =	vst v63  }
0xc7: {  	s2 =	simm.s32 $0x12100  }
0xc8: {  	[tilespmem:s2], [sflag:$0x2] =	stream.indirect_vreg.gather [hbm4b:s1+s3], $0x80, v3, vm0, $0xb8;
	[tilespmem:$0x1E100] =	vst v63  }
0xc9: {  	s2 =	simm.s32 $0x12900  }
0xca: {  	[tilespmem:s2], [sflag:$0x2] =	stream.indirect_vreg.gather [hbm4b:s5+s3], $0x80, v3, vm0, $0xb8;
	[tilespmem:$0x1E100] =	vst v63  }
0xcb: {  	v3 =	vld [tilespmem:$0xA0];
	_ =	sdelay $0x4  }
0xcc: {  	v50 =	vshll.u32 v3, $0x2  }
0xcd: {  	v3 =	vand.u32 $0x7, v3;
	v4 =	vand.u32 $0xFFFFFFE0, v50  }
0xce: {  	v3 =	vor.u32 v3, v4  }
0xcf: {  	v4 =	vperm.xlane v3, v0;
	_ =	sdelay $0x1  }
0xd0: {  	v4 =	vadd.s32 v1, v4;
	_ =	sdelay $0x1  }
0xd1: {  	v3 =	vperm.xlane v3, v2;
	_ =	sdelay $0x1  }
0xd2: {  	s2 =	simm.s32 $0x13100;
	v3 =	vadd.s32 v1, v3  }
0xd3: {  	[tilespmem:s2], [sflag:$0x2] =	stream.indirect_vreg.gather [hbm4b:s1+s3], $0x80, v4, vm0, $0xb8;
	[tilespmem:$0x1E100] =	vst v63  }
0xd4: {  	s2 =	simm.s32 $0x13900  }
0xd5: {  	[tilespmem:s2], [sflag:$0x2] =	stream.indirect_vreg.gather [hbm4b:s5+s3], $0x80, v4, vm0, $0xb8;
	[tilespmem:$0x1E100] =	vst v63  }
0xd6: {  	s0 =	rddreg [dreg:$0x6]  }
0xd7: {  	[tilespmem:s0], [sflag:$0x2] =	stream.indirect_vreg.gather [hbm4b:s1+s3], $0x80, v3, vm0, $0xb8;
	[tilespmem:$0x1E100] =	vst v63  }
0xd8: {  	s2 =	rddreg [dreg:$0x7]  }
0xd9: {  	[tilespmem:s2], [sflag:$0x2] =	stream.indirect_vreg.gather [hbm4b:s5+s3], $0x80, v3, vm0, $0xb8;
	[tilespmem:$0x1E100] =	vst v63  }
0xda: {  	v3 =	vld [tilespmem:$0xB0];
	_ =	sdelay $0x4  }
0xdb: {  	v51 =	vshll.u32 v3, $0x2  }
0xdc: {  	v3 =	vand.u32 $0x7, v3;
	v4 =	vand.u32 $0xFFFFFFE0, v51  }
0xdd: {  	v3 =	vor.u32 v3, v4  }
0xde: {  	v4 =	vperm.xlane v3, v0;
	_ =	sdelay $0x1  }
0xdf: {  	v4 =	vadd.s32 v1, v4;
	_ =	sdelay $0x1  }
0xe0: {  	v3 =	vperm.xlane v3, v2;
	_ =	sdelay $0x1  }
0xe1: {  	s0 =	rddreg [dreg:$0x8];
	v3 =	vadd.s32 v1, v3  }
0xe2: {  	[tilespmem:s0], [sflag:$0x2] =	stream.indirect_vreg.gather [hbm4b:s1+s3], $0x80, v4, vm0, $0xb8;
	[tilespmem:$0x1E100] =	vst v63  }
0xe3: {  	s2 =	rddreg [dreg:$0x9]  }
0xe4: {  	[tilespmem:s2], [sflag:$0x2] =	stream.indirect_vreg.gather [hbm4b:s5+s3], $0x80, v4, vm0, $0xb8;
	[tilespmem:$0x1E100] =	vst v63  }
0xe5: {  	s0 =	rddreg [dreg:$0xa]  }
0xe6: {  	[tilespmem:s0], [sflag:$0x2] =	stream.indirect_vreg.gather [hbm4b:s1+s3], $0x80, v3, vm0, $0xb8;
	[tilespmem:$0x1E100] =	vst v63  }
0xe7: {  	s2 =	rddreg [dreg:$0xb]  }
0xe8: {  	[tilespmem:s2], [sflag:$0x2] =	stream.indirect_vreg.gather [hbm4b:s5+s3], $0x80, v3, vm0, $0xb8;
	[tilespmem:$0x1E100] =	vst v63  }
0xe9: {  	v3 =	vld [tilespmem:$0xC0];
	_ =	sdelay $0x4  }
0xea: {  	v52 =	vshll.u32 v3, $0x2  }
0xeb: {  	v3 =	vand.u32 $0x7, v3;
	v4 =	vand.u32 $0xFFFFFFE0, v52  }
0xec: {  	v3 =	vor.u32 v3, v4  }
0xed: {  	v4 =	vperm.xlane v3, v0;
	_ =	sdelay $0x1  }
0xee: {  	v4 =	vadd.s32 v1, v4;
	_ =	sdelay $0x1  }
0xef: {  	v3 =	vperm.xlane v3, v2;
	_ =	sdelay $0x1  }
0xf0: {  	s0 =	rddreg [dreg:$0xc];
	v3 =	vadd.s32 v1, v3  }
0xf1: {  	[tilespmem:s0], [sflag:$0x2] =	stream.indirect_vreg.gather [hbm4b:s1+s3], $0x80, v4, vm0, $0xb8;
	[tilespmem:$0x1E100] =	vst v63  }
0xf2: {  	s2 =	rddreg [dreg:$0xd]  }
0xf3: {  	[tilespmem:s2], [sflag:$0x2] =	stream.indirect_vreg.gather [hbm4b:s5+s3], $0x80, v4, vm0, $0xb8;
	[tilespmem:$0x1E100] =	vst v63  }
0xf4: {  	s0 =	rddreg [dreg:$0xe]  }
0xf5: {  	[tilespmem:s0], [sflag:$0x2] =	stream.indirect_vreg.gather [hbm4b:s1+s3], $0x80, v3, vm0, $0xb8;
	[tilespmem:$0x1E100] =	vst v63  }
0xf6: {  	s2 =	rddreg [dreg:$0xf]  }
0xf7: {  	[tilespmem:s2], [sflag:$0x2] =	stream.indirect_vreg.gather [hbm4b:s5+s3], $0x80, v3, vm0, $0xb8;
	[tilespmem:$0x1E100] =	vst v63  }
0xf8: {  	v3 =	vld [tilespmem:$0xD0];
	_ =	sdelay $0x4  }
0xf9: {  	v53 =	vshll.u32 v3, $0x2  }
0xfa: {  	v3 =	vand.u32 $0x7, v3;
	v4 =	vand.u32 $0xFFFFFFE0, v53  }
0xfb: {  	v3 =	vor.u32 v3, v4  }
0xfc: {  	v4 =	vperm.xlane v3, v0;
	_ =	sdelay $0x1  }
0xfd: {  	v4 =	vadd.s32 v1, v4;
	_ =	sdelay $0x1  }
0xfe: {  	v3 =	vperm.xlane v3, v2;
	_ =	sdelay $0x1  }
0xff: {  	s0 =	rddreg [dreg:$0x10];
	v3 =	vadd.s32 v1, v3  }
0x100: {  	[tilespmem:s0], [sflag:$0x2] =	stream.indirect_vreg.gather [hbm4b:s1+s3], $0x80, v4, vm0, $0xb8;
	[tilespmem:$0x1E100] =	vst v63  }
0x101: {  	s2 =	rddreg [dreg:$0x11]  }
0x102: {  	[tilespmem:s2], [sflag:$0x2] =	stream.indirect_vreg.gather [hbm4b:s5+s3], $0x80, v4, vm0, $0xb8;
	[tilespmem:$0x1E100] =	vst v63  }
0x103: {  	s0 =	rddreg [dreg:$0x12]  }
0x104: {  	[tilespmem:s0], [sflag:$0x2] =	stream.indirect_vreg.gather [hbm4b:s1+s3], $0x80, v3, vm0, $0xb8;
	[tilespmem:$0x1E100] =	vst v63  }
0x105: {  	s2 =	rddreg [dreg:$0x13]  }
0x106: {  	[tilespmem:s2], [sflag:$0x2] =	stream.indirect_vreg.gather [hbm4b:s5+s3], $0x80, v3, vm0, $0xb8;
	[tilespmem:$0x1E100] =	vst v63  }
0x107: {  	v3 =	vld [tilespmem:$0xE0];
	_ =	sdelay $0x4  }
0x108: {  	v54 =	vshll.u32 v3, $0x2  }
0x109: {  	v3 =	vand.u32 $0x7, v3;
	v4 =	vand.u32 $0xFFFFFFE0, v54  }
0x10a: {  	v3 =	vor.u32 v3, v4  }
0x10b: {  	v4 =	vperm.xlane v3, v0;
	_ =	sdelay $0x1  }
0x10c: {  	v4 =	vadd.s32 v1, v4;
	_ =	sdelay $0x1  }
0x10d: {  	v3 =	vperm.xlane v3, v2;
	_ =	sdelay $0x1  }
0x10e: {  	s0 =	rddreg [dreg:$0x14];
	v3 =	vadd.s32 v1, v3  }
0x10f: {  	[tilespmem:s0], [sflag:$0x2] =	stream.indirect_vreg.gather [hbm4b:s1+s3], $0x80, v4, vm0, $0xb8;
	[tilespmem:$0x1E100] =	vst v63  }
0x110: {  	s2 =	rddreg [dreg:$0x15]  }
0x111: {  	[tilespmem:s2], [sflag:$0x2] =	stream.indirect_vreg.gather [hbm4b:s5+s3], $0x80, v4, vm0, $0xb8;
	[tilespmem:$0x1E100] =	vst v63  }
0x112: {  	s0 =	rddreg [dreg:$0x16]  }
0x113: {  	[tilespmem:s0], [sflag:$0x2] =	stream.indirect_vreg.gather [hbm4b:s1+s3], $0x80, v3, vm0, $0xb8;
	[tilespmem:$0x1E100] =	vst v63  }
0x114: {  	s2 =	rddreg [dreg:$0x17]  }
0x115: {  	[tilespmem:s2], [sflag:$0x2] =	stream.indirect_vreg.gather [hbm4b:s5+s3], $0x80, v3, vm0, $0xb8;
	[tilespmem:$0x1E100] =	vst v63  }
0x116: {  	v3 =	vld.msk [tilespmem:$0xF0], $0xff;
	_ =	sdelay $0x4  }
0x117: {  	v55 =	vshll.u32 v3, $0x2  }
0x118: {  	v3 =	vand.u32 $0x7, v3;
	v4 =	vand.u32 $0xFFFFFFE0, v55  }
0x119: {  	v3 =	vor.u32 v3, v4  }
0x11a: {  	v3 =	vperm.xlane v3, v0;
	_ =	sdelay $0x1  }
0x11b: {  	v3 =	vadd.s32 v1, v3;
	_ =	sdelay $0x3  }
0x11c: {  	s0 =	rddreg [dreg:$0x18]  }
0x11d: {  	[tilespmem:s0], [sflag:$0x2] =	stream.indirect_vreg.gather [hbm4b:s1+s3], $0x80, v3, vm0, $0xb8;
	[tilespmem:$0x1E100] =	vst v63  }
0x11e: {  	s2 =	rddreg [dreg:$0x19]  }
0x11f: {  	[tilespmem:s2], [sflag:$0x2] =	stream.indirect_vreg.gather [hbm4b:s5+s3], $0x80, v3, vm0, $0xb8;
	[tilespmem:$0x1E100] =	vst v63  }
0x120: {  	_ =	swait.ge [sflag:s28], $0xF000  }
0x121: {  	[sflag:s28] =	ssyncset.done $0x0  }
0x122: {  	s0 =	sadd.s32 $0xFFFFE200, s30;
	[sflag:s28] =	ssyncadd.s32 $0xFFFF1000  }
0x123: {  	[hbm4b:s0+s3] =	stream.linear.scatter [tilespmem:s12], [sflag:$0x3], $0xF000, $0x38;
	[tilespmem:$0x1E100] =	vst v63  }
0x124: {  	_ =	swait.ge [sflag:s11], $0xF000  }
0x125: {  	s0 =	rddreg [dreg:$0x4];
	[sflag:s11] =	ssyncset.done $0x0  }
0x126: {  	[sflag:s11] =	ssyncadd.s32 $0xFFFF1000;
	s0 =	sadd.s32 s31, s0  }
0x127: {  	[tilespmem:s3], [sflag:$0x3] =	stream.linear.gather [hbm4b:s0+s3], $0x78, $0x38;
	[tilespmem:$0x1E100] =	vst v63  }
0x128: {  	_ =	swait.ge [sflag:s11], $0x78  }
0x129: {  	[sflag:s11] =	ssyncset.done $0x0  }
0x12a: {  	[sflag:s11] =	ssyncadd.s32 $0xFFFFFF88  }
0x12b: {  	v3 =	vld [tilespmem:$0x0];
	_ =	sdelay $0x4  }
0x12c: {  	v56 =	vshll.u32 v3, $0x2  }
0x12d: {  	v3 =	vand.u32 $0x7, v3;
	v4 =	vand.u32 $0xFFFFFFE0, v56  }
0x12e: {  	v3 =	vor.u32 v3, v4  }
0x12f: {  	v4 =	vperm.xlane v3, v0;
	_ =	sdelay $0x1  }
0x130: {  	v4 =	vadd.s32 v1, v4;
	_ =	sdelay $0x1  }
0x131: {  	v3 =	vperm.xlane v3, v2;
	_ =	sdelay $0x1  }
0x132: {  	v3 =	vadd.s32 v1, v3  }
0x133: {  	[tilespmem:s12], [sflag:$0x1] =	stream.indirect_vreg.gather [hbm4b:s1+s3], $0x80, v4, vm0, $0xb8;
	[tilespmem:$0x1E100] =	vst v63  }
0x134: {  	s2 =	simm.s32 $0x900  }
0x135: {  	[tilespmem:s2], [sflag:$0x1] =	stream.indirect_vreg.gather [hbm4b:s5+s3], $0x80, v4, vm0, $0xb8;
	[tilespmem:$0x1E100] =	vst v63  }
0x136: {  	s0 =	simm.s32 $0x1100  }
0x137: {  	[tilespmem:s0], [sflag:$0x1] =	stream.indirect_vreg.gather [hbm4b:s1+s3], $0x80, v3, vm0, $0xb8;
	[tilespmem:$0x1E100] =	vst v63  }
0x138: {  	s0 =	simm.s32 $0x1900  }
0x139: {  	[tilespmem:s0], [sflag:$0x1] =	stream.indirect_vreg.gather [hbm4b:s5+s3], $0x80, v3, vm0, $0xb8;
	[tilespmem:$0x1E100] =	vst v63  }
0x13a: {  	v3 =	vld [tilespmem:$0x10];
	_ =	sdelay $0x4  }
0x13b: {  	v57 =	vshll.u32 v3, $0x2  }
0x13c: {  	v3 =	vand.u32 $0x7, v3;
	v4 =	vand.u32 $0xFFFFFFE0, v57  }
0x13d: {  	v3 =	vor.u32 v3, v4  }
0x13e: {  	v4 =	vperm.xlane v3, v0;
	_ =	sdelay $0x1  }
0x13f: {  	v4 =	vadd.s32 v1, v4;
	_ =	sdelay $0x1  }
0x140: {  	v3 =	vperm.xlane v3, v2;
	_ =	sdelay $0x1  }
0x141: {  	s0 =	simm.s32 $0x2100;
	v3 =	vadd.s32 v1, v3  }
0x142: {  	[tilespmem:s0], [sflag:$0x1] =	stream.indirect_vreg.gather [hbm4b:s1+s3], $0x80, v4, vm0, $0xb8;
	[tilespmem:$0x1E100] =	vst v63  }
0x143: {  	s0 =	simm.s32 $0x2900  }
0x144: {  	[tilespmem:s0], [sflag:$0x1] =	stream.indirect_vreg.gather [hbm4b:s5+s3], $0x80, v4, vm0, $0xb8;
	[tilespmem:$0x1E100] =	vst v63  }
0x145: {  	s0 =	simm.s32 $0x3100  }
0x146: {  	[tilespmem:s0], [sflag:$0x1] =	stream.indirect_vreg.gather [hbm4b:s1+s3], $0x80, v3, vm0, $0xb8;
	[tilespmem:$0x1E100] =	vst v63  }
0x147: {  	s0 =	simm.s32 $0x3900  }
0x148: {  	[tilespmem:s0], [sflag:$0x1] =	stream.indirect_vreg.gather [hbm4b:s5+s3], $0x80, v3, vm0, $0xb8;
	[tilespmem:$0x1E100] =	vst v63  }
0x149: {  	v3 =	vld [tilespmem:$0x20];
	_ =	sdelay $0x4  }
0x14a: {  	v58 =	vshll.u32 v3, $0x2  }
0x14b: {  	v3 =	vand.u32 $0x7, v3;
	v4 =	vand.u32 $0xFFFFFFE0, v58  }
0x14c: {  	v3 =	vor.u32 v3, v4  }
0x14d: {  	v4 =	vperm.xlane v3, v0;
	_ =	sdelay $0x1  }
0x14e: {  	v4 =	vadd.s32 v1, v4;
	_ =	sdelay $0x1  }
0x14f: {  	v3 =	vperm.xlane v3, v2;
	_ =	sdelay $0x1  }
0x150: {  	v3 =	vadd.s32 v1, v3  }
0x151: {  	[tilespmem:s13], [sflag:$0x1] =	stream.indirect_vreg.gather [hbm4b:s1+s3], $0x80, v4, vm0, $0xb8;
	[tilespmem:$0x1E100] =	vst v63  }
0x152: {  	_ = 	snop  }
0x153: {  	[tilespmem:s14], [sflag:$0x1] =	stream.indirect_vreg.gather [hbm4b:s5+s3], $0x80, v4, vm0, $0xb8;
	[tilespmem:$0x1E100] =	vst v63  }
0x154: {  	_ = 	snop  }
0x155: {  	[tilespmem:s15], [sflag:$0x1] =	stream.indirect_vreg.gather [hbm4b:s1+s3], $0x80, v3, vm0, $0xb8;
	[tilespmem:$0x1E100] =	vst v63  }
0x156: {  	_ = 	snop  }
0x157: {  	[tilespmem:s16], [sflag:$0x1] =	stream.indirect_vreg.gather [hbm4b:s5+s3], $0x80, v3, vm0, $0xb8;
	[tilespmem:$0x1E100] =	vst v63  }
0x158: {  	v3 =	vld [tilespmem:$0x30];
	_ =	sdelay $0x4  }
0x159: {  	v59 =	vshll.u32 v3, $0x2  }
0x15a: {  	v3 =	vand.u32 $0x7, v3;
	v4 =	vand.u32 $0xFFFFFFE0, v59  }
0x15b: {  	v3 =	vor.u32 v3, v4  }
0x15c: {  	v4 =	vperm.xlane v3, v0;
	_ =	sdelay $0x1  }
0x15d: {  	v4 =	vadd.s32 v1, v4;
	_ =	sdelay $0x1  }
0x15e: {  	v3 =	vperm.xlane v3, v2;
	_ =	sdelay $0x1  }
0x15f: {  	v3 =	vadd.s32 v1, v3  }
0x160: {  	[tilespmem:s18], [sflag:$0x1] =	stream.indirect_vreg.gather [hbm4b:s1+s3], $0x80, v4, vm0, $0xb8;
	[tilespmem:$0x1E100] =	vst v63  }
0x161: {  	_ = 	snop  }
0x162: {  	[tilespmem:s19], [sflag:$0x1] =	stream.indirect_vreg.gather [hbm4b:s5+s3], $0x80, v4, vm0, $0xb8;
	[tilespmem:$0x1E100] =	vst v63  }
0x163: {  	_ = 	snop  }
0x164: {  	[tilespmem:s20], [sflag:$0x1] =	stream.indirect_vreg.gather [hbm4b:s1+s3], $0x80, v3, vm0, $0xb8;
	[tilespmem:$0x1E100] =	vst v63  }
0x165: {  	_ = 	snop  }
0x166: {  	[tilespmem:s21], [sflag:$0x1] =	stream.indirect_vreg.gather [hbm4b:s5+s3], $0x80, v3, vm0, $0xb8;
	[tilespmem:$0x1E100] =	vst v63  }
0x167: {  	v3 =	vld [tilespmem:$0x40];
	_ =	sdelay $0x4  }
0x168: {  	v60 =	vshll.u32 v3, $0x2  }
0x169: {  	v3 =	vand.u32 $0x7, v3;
	v4 =	vand.u32 $0xFFFFFFE0, v60  }
0x16a: {  	v3 =	vor.u32 v3, v4  }
0x16b: {  	v4 =	vperm.xlane v3, v0;
	_ =	sdelay $0x1  }
0x16c: {  	v4 =	vadd.s32 v1, v4;
	_ =	sdelay $0x1  }
0x16d: {  	v3 =	vperm.xlane v3, v2;
	_ =	sdelay $0x1  }
0x16e: {  	v3 =	vadd.s32 v1, v3  }
0x16f: {  	[tilespmem:s22], [sflag:$0x1] =	stream.indirect_vreg.gather [hbm4b:s1+s3], $0x80, v4, vm0, $0xb8;
	[tilespmem:$0x1E100] =	vst v63  }
0x170: {  	_ = 	snop  }
0x171: {  	[tilespmem:s23], [sflag:$0x1] =	stream.indirect_vreg.gather [hbm4b:s5+s3], $0x80, v4, vm0, $0xb8;
	[tilespmem:$0x1E100] =	vst v63  }
0x172: {  	_ = 	snop  }
0x173: {  	[tilespmem:s24], [sflag:$0x1] =	stream.indirect_vreg.gather [hbm4b:s1+s3], $0x80, v3, vm0, $0xb8;
	[tilespmem:$0x1E100] =	vst v63  }
0x174: {  	_ = 	snop  }
0x175: {  	[tilespmem:s25], [sflag:$0x1] =	stream.indirect_vreg.gather [hbm4b:s5+s3], $0x80, v3, vm0, $0xb8;
	[tilespmem:$0x1E100] =	vst v63  }
0x176: {  	v3 =	vld [tilespmem:$0x50];
	_ =	sdelay $0x4  }
0x177: {  	v61 =	vshll.u32 v3, $0x2  }
0x178: {  	v3 =	vand.u32 $0x7, v3;
	v4 =	vand.u32 $0xFFFFFFE0, v61  }
0x179: {  	v3 =	vor.u32 v3, v4  }
0x17a: {  	v4 =	vperm.xlane v3, v0;
	_ =	sdelay $0x1  }
0x17b: {  	v4 =	vadd.s32 v1, v4;
	_ =	sdelay $0x1  }
0x17c: {  	v3 =	vperm.xlane v3, v2;
	_ =	sdelay $0x1  }
0x17d: {  	v3 =	vadd.s32 v1, v3  }
0x17e: {  	[tilespmem:s26], [sflag:$0x1] =	stream.indirect_vreg.gather [hbm4b:s1+s3], $0x80, v4, vm0, $0xb8;
	[tilespmem:$0x1E100] =	vst v63  }
0x17f: {  	_ = 	snop  }
0x180: {  	[tilespmem:s4], [sflag:$0x1] =	stream.indirect_vreg.gather [hbm4b:s5+s3], $0x80, v4, vm0, $0xb8;
	[tilespmem:$0x1E100] =	vst v63  }
0x181: {  	_ = 	snop  }
0x182: {  	[tilespmem:s6], [sflag:$0x1] =	stream.indirect_vreg.gather [hbm4b:s1+s3], $0x80, v3, vm0, $0xb8;
	[tilespmem:$0x1E100] =	vst v63  }
0x183: {  	s0 =	simm.s32 $0xB900  }
0x184: {  	[tilespmem:s0], [sflag:$0x1] =	stream.indirect_vreg.gather [hbm4b:s5+s3], $0x80, v3, vm0, $0xb8;
	[tilespmem:$0x1E100] =	vst v63  }
0x185: {  	v3 =	vld [tilespmem:$0x60];
	_ =	sdelay $0x4  }
0x186: {  	v62 =	vshll.u32 v3, $0x2  }
0x187: {  	v3 =	vand.u32 $0x7, v3;
	v4 =	vand.u32 $0xFFFFFFE0, v62  }
0x188: {  	v3 =	vor.u32 v3, v4  }
0x189: {  	v4 =	vperm.xlane v3, v0;
	_ =	sdelay $0x1  }
0x18a: {  	v4 =	vadd.s32 v1, v4;
	_ =	sdelay $0x1  }
0x18b: {  	v3 =	vperm.xlane v3, v2;
	_ =	sdelay $0x1  }
0x18c: {  	s0 =	simm.s32 $0xC100;
	v3 =	vadd.s32 v1, v3  }
0x18d: {  	[tilespmem:s0], [sflag:$0x1] =	stream.indirect_vreg.gather [hbm4b:s1+s3], $0x80, v4, vm0, $0xb8;
	[tilespmem:$0x1E100] =	vst v63  }
0x18e: {  	s0 =	simm.s32 $0xC900  }
0x18f: {  	[tilespmem:s0], [sflag:$0x1] =	stream.indirect_vreg.gather [hbm4b:s5+s3], $0x80, v4, vm0, $0xb8;
	[tilespmem:$0x1E100] =	vst v63  }
0x190: {  	s0 =	simm.s32 $0xD100  }
0x191: {  	[tilespmem:s0], [sflag:$0x1] =	stream.indirect_vreg.gather [hbm4b:s1+s3], $0x80, v3, vm0, $0xb8;
	[tilespmem:$0x1E100] =	vst v63  }
0x192: {  	s0 =	simm.s32 $0xD900  }
0x193: {  	[tilespmem:s0], [sflag:$0x1] =	stream.indirect_vreg.gather [hbm4b:s5+s3], $0x80, v3, vm0, $0xb8;
	[tilespmem:$0x1E100] =	vst v63  }
0x194: {  	v3 =	vld.msk [tilespmem:$0x70], $0xff;
	_ =	sdelay $0x4  }
0x195: {  	v63 =	vshll.u32 v3, $0x2  }
0x196: {  	v3 =	vand.u32 $0x7, v3;
	v4 =	vand.u32 $0xFFFFFFE0, v63  }
0x197: {  	v3 =	vor.u32 v3, v4  }
0x198: {  	v3 =	vperm.xlane v3, v0;
	_ =	sdelay $0x1  }
0x199: {  	v3 =	vadd.s32 v1, v3;
	_ =	sdelay $0x4  }
0x19a: {  	[tilespmem:s7], [sflag:$0x1] =	stream.indirect_vreg.gather [hbm4b:s1+s3], $0x80, v3, vm0, $0xb8;
	[tilespmem:$0x1E100] =	vst v63  }
0x19b: {  	_ = 	snop  }
0x19c: {  	[tilespmem:s8], [sflag:$0x1] =	stream.indirect_vreg.gather [hbm4b:s5+s3], $0x80, v3, vm0, $0xb8;
	[tilespmem:$0x1E100] =	vst v63  }
0x19d: {  	_ =	swait.ge [sflag:s29], $0xF000  }
0x19e: {  	p0 =	sne.s32 s31, $0xC4E;
	[sflag:s29] =	ssyncset.done $0x0  }
.Ltmp0:
0x19f: {  	[sflag:s29] =	ssyncadd.s32 $0xFFFF1000;
	(pc) =	sbr.rel @p0 .LBB2_2-.Ltmp0, $4  }
0x1a0: {  	[hbm4b:s30+s3] =	stream.linear.scatter [tilespmem:s17], [sflag:$0x3], $0xF000, $0x38;
	[tilespmem:$0x1E100] =	vst v63  }
0x1a1: {  	_ =	swait.ge [sflag:s11], $0xF000  }
0x1a2: {  	[sflag:s11] =	ssyncset.done $0x0  }
0x1a3: {  	s31 =	sadd.s32 $0x1E, s31;
	s30 =	sadd.s32 $0x3C00, s30;
	[sflag:s11] =	ssyncadd.s32 $0xFFFF1000  }
0x1a4: {  	s0 =	rddreg [dreg:$0x1b]  }
0x1a5: {  	[tilespmem:s9], [sflag:$0x3] =	stream.linear.gather [hbm4b:s0+s3], $0x28, $0x38;
	[tilespmem:$0x1E100] =	vst v63  }
0x1a6: {  	_ =	swait.ge [sflag:s11], $0x28  }
0x1a7: {  	[sflag:s11] =	ssyncset.done $0x0  }
0x1a8: {  	[sflag:s11] =	ssyncadd.s32 $0xFFFFFFD8  }
0x1a9: {  	v3 =	vld [tilespmem:$0x80];
	_ =	sdelay $0x4  }
0x1aa: {  	v4 =	vshll.u32 v3, $0x2  }
0x1ab: {  	v3 =	vand.u32 $0x7, v3;
	v4 =	vand.u32 $0xFFFFFFE0, v4  }
0x1ac: {  	v3 =	vor.u32 v3, v4  }
0x1ad: {  	v4 =	vperm.xlane v3, v0;
	_ =	sdelay $0x1  }
0x1ae: {  	v4 =	vadd.s32 v1, v4;
	_ =	sdelay $0x1  }
0x1af: {  	v3 =	vperm.xlane v3, v2;
	_ =	sdelay $0x1  }
0x1b0: {  	v3 =	vadd.s32 v1, v3  }
0x1b1: {  	[tilespmem:s17], [sflag:$0x2] =	stream.indirect_vreg.gather [hbm4b:s1+s3], $0x80, v4, vm0, $0xb8;
	[tilespmem:$0x1E100] =	vst v63  }
0x1b2: {  	_ = 	snop  }
0x1b3: {  	[tilespmem:s10], [sflag:$0x2] =	stream.indirect_vreg.gather [hbm4b:s5+s3], $0x80, v4, vm0, $0xb8;
	[tilespmem:$0x1E100] =	vst v63  }
0x1b4: {  	s15 =	simm.s32 $0x10100  }
0x1b5: {  	[tilespmem:s15], [sflag:$0x2] =	stream.indirect_vreg.gather [hbm4b:s1+s3], $0x80, v3, vm0, $0xb8;
	[tilespmem:$0x1E100] =	vst v63  }
0x1b6: {  	s16 =	simm.s32 $0x10900  }
0x1b7: {  	[tilespmem:s16], [sflag:$0x2] =	stream.indirect_vreg.gather [hbm4b:s5+s3], $0x80, v3, vm0, $0xb8;
	[tilespmem:$0x1E100] =	vst v63  }
0x1b8: {  	v3 =	vld [tilespmem:$0x90];
	_ =	sdelay $0x4  }
0x1b9: {  	v62 =	vshll.u32 v3, $0x2  }
0x1ba: {  	v3 =	vand.u32 $0x7, v3;
	v4 =	vand.u32 $0xFFFFFFE0, v62  }
0x1bb: {  	v3 =	vor.u32 v3, v4  }
0x1bc: {  	v4 =	vperm.xlane v3, v0;
	_ =	sdelay $0x1  }
0x1bd: {  	v4 =	vadd.s32 v1, v4;
	_ =	sdelay $0x1  }
0x1be: {  	v3 =	vperm.xlane v3, v2;
	_ =	sdelay $0x1  }
0x1bf: {  	s18 =	simm.s32 $0x11100;
	v3 =	vadd.s32 v1, v3  }
0x1c0: {  	[tilespmem:s18], [sflag:$0x2] =	stream.indirect_vreg.gather [hbm4b:s1+s3], $0x80, v4, vm0, $0xb8;
	[tilespmem:$0x1E100] =	vst v63  }
0x1c1: {  	s19 =	simm.s32 $0x11900  }
0x1c2: {  	[tilespmem:s19], [sflag:$0x2] =	stream.indirect_vreg.gather [hbm4b:s5+s3], $0x80, v4, vm0, $0xb8;
	[tilespmem:$0x1E100] =	vst v63  }
0x1c3: {  	s20 =	simm.s32 $0x12100  }
0x1c4: {  	[tilespmem:s20], [sflag:$0x2] =	stream.indirect_vreg.gather [hbm4b:s1+s3], $0x80, v3, vm0, $0xb8;
	[tilespmem:$0x1E100] =	vst v63  }
0x1c5: {  	s21 =	simm.s32 $0x12900  }
0x1c6: {  	[tilespmem:s21], [sflag:$0x2] =	stream.indirect_vreg.gather [hbm4b:s5+s3], $0x80, v3, vm0, $0xb8;
	[tilespmem:$0x1E100] =	vst v63  }
0x1c7: {  	v3 =	vld.msk [tilespmem:$0xA0], $0xff;
	_ =	sdelay $0x4  }
0x1c8: {  	v63 =	vshll.u32 v3, $0x2  }
0x1c9: {  	v3 =	vand.u32 $0x7, v3;
	v4 =	vand.u32 $0xFFFFFFE0, v63  }
0x1ca: {  	v3 =	vor.u32 v3, v4  }
0x1cb: {  	v3 =	vperm.xlane v3, v0;
	_ =	sdelay $0x1  }
0x1cc: {  	v3 =	vadd.s32 v1, v3;
	_ =	sdelay $0x3  }
0x1cd: {  	s22 =	simm.s32 $0x13100  }
0x1ce: {  	[tilespmem:s22], [sflag:$0x2] =	stream.indirect_vreg.gather [hbm4b:s1+s3], $0x80, v3, vm0, $0xb8;
	[tilespmem:$0x1E100] =	vst v63  }
0x1cf: {  	s23 =	simm.s32 $0x13900  }
0x1d0: {  	[tilespmem:s23], [sflag:$0x2] =	stream.indirect_vreg.gather [hbm4b:s5+s3], $0x80, v3, vm0, $0xb8;
	[tilespmem:$0x1E100] =	vst v63  }
0x1d1: {  	_ =	swait.ge [sflag:s28], $0xF000  }
0x1d2: {  	[sflag:s28] =	ssyncset.done $0x0  }
0x1d3: {  	s24 =	rddreg [dreg:$0x1c];
	[sflag:s28] =	ssyncadd.s32 $0xFFFF1000  }
0x1d4: {  	[hbm4b:s24+s3] =	stream.linear.scatter [tilespmem:s12], [sflag:$0x3], $0xF000, $0x38;
	[tilespmem:$0x1E100] =	vst v63  }
0x1d5: {  	_ =	swait.ge [sflag:s11], $0xF000  }
0x1d6: {  	[sflag:s11] =	ssyncset.done $0x0  }
0x1d7: {  	[sflag:s11] =	ssyncadd.s32 $0xFFFF1000  }
0x1d8: {  	_ =	swait.ge [sflag:s29], $0x5000  }
0x1d9: {  	[sflag:s29] =	ssyncset.done $0x0  }
0x1da: {  	s25 =	rddreg [dreg:$0x1d];
	[sflag:s29] =	ssyncadd.s32 $0xFFFFB000  }
0x1db: {  	[hbm4b:s25+s3] =	stream.linear.scatter [tilespmem:s17], [sflag:$0x3], $0x5000, $0x38;
	[tilespmem:$0x1E100] =	vst v63  }
0x1dc: {  	_ =	swait.ge [sflag:s11], $0x5000  }
0x1dd: {  	s6 =	simm.s32 $0x1900;
	s4 =	sld [smem:$0x7FD]  }
0x1de: {  	s7 =	simm.s32 $0x2100;
	s8 =	simm.s32 $0x2900;
	s13 =	simm.s32 $0x4100  }
0x1df: {  	s14 =	simm.s32 $0x4900;
	s30 =	simm.s32 $0xA900;
	s31 =	simm.s32 $0xB100  }
0x1e0: {  	s9 =	simm.s32 $0x3100;
	s26 =	rddreg [dreg:$0x1e];
	s4 =	sadd.s32 $0x1, s4  }
0x1e1: {  	s10 =	simm.s32 $0x3900;
	s15 =	simm.s32 $0x5100;
	p0 =	sne.s32 s4, s26  }
.Ltmp1:
0x1e2: {  	s16 =	simm.s32 $0x5900;
	s18 =	simm.s32 $0x6100;
	(pc) =	sbr.rel @p0 .LBB2_1-.Ltmp1, $4  }
0x1e3: {  	s19 =	simm.s32 $0x6900;
	s20 =	simm.s32 $0x7100;
	s21 =	simm.s32 $0x7900  }
0x1e4: {  	s22 =	simm.s32 $0x8100;
	s23 =	simm.s32 $0x8900;
	[sflag:s11] =	ssyncset.done $0x0  }
0x1e5: {  	s24 =	simm.s32 $0x9100;
	s25 =	simm.s32 $0x9900;
	[sflag:s11] =	ssyncadd.s32 $0xFFFFB000  }
0x1e6: {  	[smem:$0x7FD] =	sst s4;
	s4 =	simm.s32 $0x1100;
	s26 =	simm.s32 $0xA100  }
0x1e7: {  	_ =	sfence.sel $0x180000  }
0x1e8: {  	[bflag:$0x0] =	sbarrier.arrive $0xFFFF  }
0x1e9: {  	_ =	strace $0x90000047  }
0x1ea: {  	s0 =	stileid.u32;
	[bflag:$0x2] =	sbarrier.arrive $0xFFFF  }
0x1eb: {  	p0 =	sne.s32 s0, $0x0;
	s0 =	rddreg [dreg:$0x3]  }
0x1ec: {  	s0 =	sadd.s32 @!p0 $0x100000, s0  }
0x1ed: {  	[sflag:s0] =	ssyncadd.tile.s32 @!p0 $0x1;
	_ =	shalt  }
.Lfunc_end2:
_tile_overlayer_lowered:
.L_overlay_start_2:
0x1ee: {  	(tag) =	ssettag $0x2  }
0x1ef: {  	s0 =	rddreg [dreg:$0x0];
	s2 =	stileid.u32  }
0x1f0: {  	s1 =	rddreg [dreg:$0x1];
	p0 =	sne.s32 s2, $0x0  }
0x1f1: {  	s3 =	rddreg [dreg:$0x2];
	[bflag:$0x3] =	sbarrier.arrive $0xFFFF;
	s2 =	simm.s32 @!p0 $0x1C03  }
0x1f2: {  	[timem:s3], [sflag:s2] =	dma.local @!p0 [hbm:s0], s1  }
0x1f3: {  	s0 =	simm.s32 @!p0 $0x3  }
0x1f4: {  	_ =	swait.ge @!p0 [sflag:s0], s1  }
0x1f5: {  	s1 =	ssub.s32 @!p0 $0x0, s1;
	[sflag:s0] =	ssyncset.done @!p0 $0x0  }
0x1f6: {  	[sflag:s0] =	ssyncadd.s32 @!p0 s1  }
0x1f7: {  	[bflag:$0x3] =	sbarrier.arrive $0xFFFF  }
0x1f8: {  	_ =	shalt  }

</sc_bundles>
